<compile_context>
chip_gen: v7x
topology: tpu7x:2x2x1
jax: 0.10.2.dev20260603
libtpu: 0.0.44.dev20260713+nightly
codegen_flags: <defaults>
</compile_context>

<pallas_src>
import functools

import jax
import jax.numpy as jnp
from jax import lax
from jax.experimental import pallas as pl
from jax.experimental.pallas import tpu as pltpu
from jax.experimental.pallas import tpu_sc as plsc

NE = 64
S = 2048
D = 768
HD = 768
BT = 256
NT = S // BT
MAXV = NT + NE
NW = 32
CHUNK = S // NW


def _router_body(x_ref, rw_ref, rb_ref, p_ref, gid_ref, tid_ref,
                 lo_ref, hi_ref):
    x = x_ref[...]
    rw = rw_ref[...]
    logits = lax.dot_general(x, rw, (((1,), (1,)), ((), ())),
                             preferred_element_type=jnp.float32)
    logits = logits + rb_ref[...]
    m = jnp.max(logits, axis=1, keepdims=True)
    iota_e = lax.broadcasted_iota(jnp.int32, (S, NE), 1)
    e = jnp.min(jnp.where(logits == m, iota_e, NE), axis=1, keepdims=True)
    onehot = (iota_e == e).astype(jnp.float32)
    counts = jnp.sum(onehot, axis=0, keepdims=True)
    ia = lax.broadcasted_iota(jnp.int32, (NE, NE), 0)
    ib = lax.broadcasted_iota(jnp.int32, (NE, NE), 1)
    lt = (ia < ib).astype(jnp.float32)
    offs = lax.dot_general(counts, lt, (((1,), (0,)), ((), ())))
    blk = 256
    run = jnp.zeros((1, NE), jnp.float32)
    parts = []
    ii = lax.broadcasted_iota(jnp.int32, (blk, blk), 0)
    jj = lax.broadcasted_iota(jnp.int32, (blk, blk), 1)
    tril = (ii > jj).astype(jnp.float32)
    for b in range(S // blk):
        hb = onehot[b * blk:(b + 1) * blk]
        cb = lax.dot_general(tril, hb, (((1,), (0,)), ((), ()))) + run
        run = run + jnp.sum(hb, axis=0, keepdims=True)
        parts.append(cb)
    rank = jnp.concatenate(parts, axis=0)
    p = jnp.sum(onehot * (rank + offs), axis=1, keepdims=True)
    p_ref[...] = p.astype(jnp.int32).reshape(S // 128, 128)

    end = offs + counts
    nonempty = counts > 0.0
    first_tile = jnp.floor(offs / BT)
    last_tile = jnp.where(nonempty, jnp.floor((end - 1.0) / BT), 0.0)
    gtiles = jnp.where(nonempty, last_tile - first_tile + 1.0, 0.0)
    le = (ia <= ib).astype(jnp.float32)
    vs = lax.dot_general(gtiles, le, (((1,), (0,)), ((), ())))
    nvisit = jnp.max(vs)
    t_col = lax.broadcasted_iota(jnp.int32, (MAXV, 1), 0).astype(jnp.float32)
    gid = jnp.sum((vs <= t_col).astype(jnp.float32), axis=1, keepdims=True)
    valid = t_col < nvisit
    last_gid = jnp.sum((vs <= nvisit - 1.0).astype(jnp.float32))
    gid_c = jnp.where(valid, gid, last_gid)
    iota_g = lax.broadcasted_iota(jnp.int32, (MAXV, NE), 1).astype(jnp.float32)
    onehot_g = (iota_g == gid_c).astype(jnp.float32)

    def sel(v):
        return lax.dot_general(onehot_g, v, (((1,), (1,)), ((), ())))

    vstart = sel(vs - gtiles)
    tid = jnp.where(valid, sel(first_tile) + (t_col - vstart), float(NT - 1))
    gid_ref[...] = gid_c.astype(jnp.int32)
    tid_ref[...] = tid.astype(jnp.int32)
    lo_ref[...] = jnp.where(valid, sel(offs), 0.0).astype(jnp.int32)
    hi_ref[...] = jnp.where(valid, sel(end), 0.0).astype(jnp.int32)


_router = pl.pallas_call(
    _router_body,
    out_shape=(
        jax.ShapeDtypeStruct((S // 128, 128), jnp.int32),
        jax.ShapeDtypeStruct((MAXV, 1), jnp.int32),
        jax.ShapeDtypeStruct((MAXV, 1), jnp.int32),
        jax.ShapeDtypeStruct((MAXV, 1), jnp.int32),
        jax.ShapeDtypeStruct((MAXV, 1), jnp.int32),
    ),
)


def _gmm_body(gid_ref, tid_ref, lo_ref, hi_ref,
              xs_ref, wa_ref, b_ref, o_ref):
    t = pl.program_id(0)
    lo = lo_ref[t, 0]
    hi = hi_ref[t, 0]
    tile = tid_ref[t, 0]

    @pl.when(lo < hi)
    def _():
        acc = lax.dot_general(xs_ref[...], wa_ref[0],
                              (((1,), (1,)), ((), ())),
                              precision=lax.Precision.DEFAULT,
                              preferred_element_type=jnp.float32)
        acc = acc + b_ref[pl.ds(gid_ref[t, 0], 1), :]
        r = tile * BT + lax.broadcasted_iota(jnp.int32, (BT, HD), 0)
        mask = (r >= lo) & (r < hi)
        o_ref[...] = jnp.where(mask, acc, o_ref[...])


_gmm = pl.pallas_call(
    _gmm_body,
    grid_spec=pltpu.PrefetchScalarGridSpec(
        num_scalar_prefetch=4,
        grid=(MAXV,),
        in_specs=[
            pl.BlockSpec((BT, D), lambda t, gid, tid, lo, hi: (tid[t, 0], 0)),
            pl.BlockSpec((1, HD, D),
                         lambda t, gid, tid, lo, hi: (gid[t, 0], 0, 0)),
            pl.BlockSpec((NE, HD), lambda t, gid, tid, lo, hi: (0, 0)),
        ],
        out_specs=pl.BlockSpec((BT, HD),
                               lambda t, gid, tid, lo, hi: (tid[t, 0], 0)),
    ),
    out_shape=jax.ShapeDtypeStruct((S, HD), jnp.float32),
    compiler_params=pltpu.CompilerParams(dimension_semantics=("arbitrary",)),
)


HC = CHUNK // 2


@functools.cache
def _sc_kernels():
    mesh = plsc.VectorSubcoreMesh(core_axis_name="c", subcore_axis_name="s")

    @functools.partial(
        pl.kernel,
        out_type=jax.ShapeDtypeStruct((S, D), jnp.float32),
        mesh=mesh,
        scratch_types=[
            pltpu.VMEM((HC,), jnp.int32),
            pltpu.VMEM((HC,), jnp.int32),
            pltpu.VMEM((HC, D), jnp.float32),
            pltpu.VMEM((HC, D), jnp.float32),
            pltpu.SemaphoreType.DMA,
            pltpu.SemaphoreType.DMA,
            pltpu.SemaphoreType.DMA,
        ],
    )
    def sc_scatter_rows(x_hbm, p_hbm, out_hbm,
                        idx0, idx1, r0, r1, s0, s1, ss):
        wid = lax.axis_index("s") * 2 + lax.axis_index("c")
        base = wid * CHUNK
        row = wid // 2
        col = (wid % 2) * CHUNK
        c0 = pltpu.async_copy(x_hbm.at[pl.ds(base, HC)], r0, s0)
        c1 = pltpu.async_copy(x_hbm.at[pl.ds(base + HC, HC)], r1, s1)
        pltpu.sync_copy(p_hbm.at[row, pl.ds(col, HC)], idx0)
        pltpu.sync_copy(p_hbm.at[row, pl.ds(col + HC, HC)], idx1)
        c0.wait()
        w0 = pltpu.async_copy(r0, out_hbm.at[idx0], ss)
        c1.wait()
        w1 = pltpu.async_copy(r1, out_hbm.at[idx1], ss)
        w0.wait()
        w1.wait()

    @functools.partial(
        pl.kernel,
        out_type=jax.ShapeDtypeStruct((S, HD), jnp.float32),
        mesh=mesh,
        scratch_types=[
            pltpu.VMEM((HC,), jnp.int32),
            pltpu.VMEM((HC,), jnp.int32),
            pltpu.VMEM((HC, HD), jnp.float32),
            pltpu.VMEM((HC, HD), jnp.float32),
            pltpu.SemaphoreType.DMA,
            pltpu.SemaphoreType.DMA,
            pltpu.SemaphoreType.DMA,
        ],
    )
    def sc_gather_rows(ys_hbm, p_hbm, out_hbm,
                       idx0, idx1, r0, r1, s0, s1, ss):
        wid = lax.axis_index("s") * 2 + lax.axis_index("c")
        base = wid * CHUNK
        row = wid // 2
        col = (wid % 2) * CHUNK
        pltpu.sync_copy(p_hbm.at[row, pl.ds(col, HC)], idx0)
        pltpu.sync_copy(p_hbm.at[row, pl.ds(col + HC, HC)], idx1)
        g0 = pltpu.async_copy(ys_hbm.at[idx0], r0, s0)
        g1 = pltpu.async_copy(ys_hbm.at[idx1], r1, s1)
        g0.wait()
        w0 = pltpu.async_copy(r0, out_hbm.at[pl.ds(base, HC)], ss)
        g1.wait()
        w1 = pltpu.async_copy(r1, out_hbm.at[pl.ds(base + HC, HC)], ss)
        w0.wait()
        w1.wait()

    return sc_scatter_rows, sc_gather_rows


def kernel(x, router_w, router_b, expert_w, expert_b):
    b, s, d = x.shape
    x_flat = x.reshape(s, d)
    p, gid, tid, lo, hi = _router(x_flat, router_w, router_b.reshape(1, NE))
    sc_scatter_rows, sc_gather_rows = _sc_kernels()
    xs = sc_scatter_rows(x_flat, p)
    ys = _gmm(gid, tid, lo, hi, xs, expert_w, expert_b)
    out = sc_gather_rows(ys, p)
    return out.reshape(b, s, HD)

# --- scband reference (transcript-rebuilt; emitter-appended) ---
"""Pipeline reference for scband-autopoietic-mo-elayer-62783831933690 (READ-ONLY COPY).

The authoritative reference and input builder live on the scoring server;
editing this copy changes nothing except your own understanding.
"""

import jax, jax.numpy as jnp
import numpy as np

E = 64
TOPK = 1
D = 768
H = 768
B = 1
S = 2048

def setup_inputs(seed: int = 0) -> dict:
    key = jax.random.key(seed)
    k1, k2, k3, k4 = jax.random.split(key, 4)
    x = jax.random.normal(k1, (B, S, D), dtype=jnp.float32)
    router_w = jax.random.normal(k2, (E, D), dtype=jnp.float32) * 0.02
    router_b = jnp.zeros((E,), dtype=jnp.float32)
    expert_w = jax.random.normal(k3, (E, H, D), dtype=jnp.float32) * 0.02
    expert_b = jax.random.normal(k4, (E, H), dtype=jnp.float32) * 0.02
    return {"x": x, "router_w": router_w, "router_b": router_b, "expert_w": expert_w, "expert_b": expert_b}

def reference(x, router_w, router_b, expert_w, expert_b):
    b, s, d = x.shape
    x_flat = x.reshape(-1, d)
    router_logits = x_flat @ router_w.T + router_b
    routing_weights = jax.nn.softmax(router_logits, axis=-1)
    top_k_weights, top_k_indices = jax.lax.top_k(routing_weights, TOPK)
    top_k_weights = top_k_weights / jnp.sum(top_k_weights, axis=-1, keepdims=True)
    final_output = jnp.zeros((b * s, H), dtype=x.dtype)
    for exp_idx in range(E):
        match = (top_k_indices == exp_idx)
        # per-token weight for this expert (0.0 if not routed here)
        w_e = jnp.sum(top_k_weights * match.astype(top_k_weights.dtype), axis=-1)
        expert_output = x_flat @ expert_w[exp_idx].T + expert_b[exp_idx]
        final_output = final_output + w_e[:, None] * expert_output
    return final_output.reshape(b, s, H)

if __name__ == "__main__":
    import jax
    _d = setup_inputs()
    print(jax.jit(kernel)(*tuple(_d.values())))

</pallas_src>

<mosaic_0001>
#map = affine_map<(d0, d1) -> (0, 0)>
module attributes {stable_mosaic.version = 14 : i64} {
  func.func @sc_gather_rows(%arg0: i32, %arg1: i32, %arg2: memref<2048x768xf32, #tpu.memory_space<hbm>>, %arg3: memref<16x128xi32, #tpu.memory_space<hbm>>, %arg4: memref<2048x768xf32, #tpu.memory_space<hbm>>, %arg5: memref<32xi32, #tpu.memory_space<vmem>>, %arg6: memref<32xi32, #tpu.memory_space<vmem>>, %arg7: memref<32x768xf32, #tpu.memory_space<vmem>>, %arg8: memref<32x768xf32, #tpu.memory_space<vmem>>, %arg9: memref<!tpu.dma_semaphore, #tpu.memory_space<semaphore_mem>>, %arg10: memref<!tpu.dma_semaphore, #tpu.memory_space<semaphore_mem>>, %arg11: memref<!tpu.dma_semaphore, #tpu.memory_space<semaphore_mem>>) attributes {dimension_semantics = [#tpu.dimension_semantics<core_parallel>, #tpu.dimension_semantics<subcore_parallel>], iteration_bounds = array<i64: 2, 16>, scalar_prefetch = 0 : i64, scratch_operands = 7 : i64, tpu.core_type = #tpu.core_type<sc_vector_subcore>, window_params = [{transform_indices = #map}, {transform_indices = #map}, {transform_indices = #map}]} {
    %mul3A = arith.constant 2 : i32
    %mul3A_0 = arith.muli %arg1, %mul3A : i32
    %add3A = arith.addi %mul3A_0, %arg0 : i32
    %mul3A_1 = arith.constant 64 : i32
    %mul3A_2 = arith.muli %add3A, %mul3A_1 : i32
    %jit3A = arith.constant 2 : i32
    %div3A = arith.divsi %add3A, %jit3A : i32
    %sign3A = arith.constant 0 : i32
    %sign3A_3 = arith.cmpi sgt, %add3A, %sign3A : i32
    %sign3A_4 = arith.extui %sign3A_3 : i1 to i32
    %sign3A_5 = arith.constant 0 : i32
    %sign3A_6 = arith.cmpi slt, %add3A, %sign3A_5 : i32
    %sign3A_7 = arith.extui %sign3A_6 : i1 to i32
    %sign3A_8 = arith.subi %sign3A_4, %sign3A_7 : i32
    %sign3A_9 = arith.constant 0 : i32
    %sign3A_10 = arith.cmpi sgt, %jit3A, %sign3A_9 : i32
    %sign3A_11 = arith.extui %sign3A_10 : i1 to i32
    %sign3A_12 = arith.constant 0 : i32
    %sign3A_13 = arith.cmpi slt, %jit3A, %sign3A_12 : i32
    %sign3A_14 = arith.extui %sign3A_13 : i1 to i32
    %sign3A_15 = arith.subi %sign3A_11, %sign3A_14 : i32
    %ne3A = arith.cmpi ne, %sign3A_8, %sign3A_15 : i32
    %rem3A = arith.remsi %add3A, %jit3A : i32
    %ne3A_16 = arith.constant 0 : i32
    %ne3A_17 = arith.cmpi ne, %rem3A, %ne3A_16 : i32
    %and3A = arith.andi %ne3A, %ne3A_17 : i1
    %sub3A = arith.constant 1 : i32
    %sub3A_18 = arith.subi %div3A, %sub3A : i32
    %select_n3A = arith.select %and3A, %sub3A_18, %div3A : i32
    %jit3A_19 = arith.constant 2 : i32
    %eq3A = arith.constant 0 : i32
    %eq3A_20 = arith.cmpi eq, %jit3A_19, %eq3A : i32
    %jit3A_21 = arith.constant 1 : i32
    %select_n3A_22 = arith.select %eq3A_20, %jit3A_21, %jit3A_19 : i32
    %rem3A_23 = arith.remsi %add3A, %select_n3A_22 : i32
    %ne3A_24 = arith.constant 0 : i32
    %ne3A_25 = arith.cmpi ne, %rem3A_23, %ne3A_24 : i32
    %lt3A = arith.constant 0 : i32
    %lt3A_26 = arith.cmpi slt, %rem3A_23, %lt3A : i32
    %lt3A_27 = arith.constant 0 : i32
    %lt3A_28 = arith.cmpi slt, %select_n3A_22, %lt3A_27 : i32
    %ne3A_29 = arith.xori %lt3A_26, %lt3A_28 : i1
    %and3A_30 = arith.andi %ne3A_29, %ne3A_25 : i1
    %add3A_31 = arith.addi %rem3A_23, %select_n3A_22 : i32
    %select_n3A_32 = arith.select %and3A_30, %add3A_31, %rem3A_23 : i32
    %mul3A_33 = arith.constant 64 : i32
    %mul3A_34 = arith.muli %select_n3A_32, %mul3A_33 : i32
    "tpu.region"() ({
      %run_scoped3A = tpu.sem_alloc : memref<!tpu.dma_semaphore, #tpu.memory_space<semaphore_mem>>
      %dma_start3A_65 = tpu.memref_slice %arg3[%select_n3A, %mul3A_34] : memref<16x128xi32, #tpu.memory_space<hbm>> -> memref<1x32xi32, #tpu.memory_space<hbm>>
      %dma_start3A_66 = tpu.memref_squeeze %dma_start3A_65 : memref<1x32xi32, #tpu.memory_space<hbm>> -> memref<32xi32, #tpu.memory_space<hbm>>
      %dma_start3A_67 = tpu.memref_slice %arg3[%select_n3A, %mul3A_34] : memref<16x128xi32, #tpu.memory_space<hbm>> -> memref<1x32xi32, #tpu.memory_space<hbm>>
      %dma_start3A_68 = tpu.memref_squeeze %dma_start3A_67 : memref<1x32xi32, #tpu.memory_space<hbm>> -> memref<32xi32, #tpu.memory_space<hbm>>
      tpu.enqueue_dma source(%dma_start3A_68 : memref<32xi32, #tpu.memory_space<hbm>>) target(%arg5 : memref<32xi32, #tpu.memory_space<vmem>>) target_semaphore(%run_scoped3A : memref<!tpu.dma_semaphore, #tpu.memory_space<semaphore_mem>>)
      %dma_wait3A_69 = tpu.memref_slice %arg3[%select_n3A, %mul3A_34] : memref<16x128xi32, #tpu.memory_space<hbm>> -> memref<1x32xi32, #tpu.memory_space<hbm>>
      %dma_wait3A_70 = tpu.memref_squeeze %dma_wait3A_69 : memref<1x32xi32, #tpu.memory_space<hbm>> -> memref<32xi32, #tpu.memory_space<hbm>>
      %dma_wait3A_71 = tpu.memref_slice %arg3[%select_n3A, %mul3A_34] : memref<16x128xi32, #tpu.memory_space<hbm>> -> memref<1x32xi32, #tpu.memory_space<hbm>>
      %dma_wait3A_72 = tpu.memref_squeeze %dma_wait3A_71 : memref<1x32xi32, #tpu.memory_space<hbm>> -> memref<32xi32, #tpu.memory_space<hbm>>
      tpu.wait_dma2 semaphore(%run_scoped3A : memref<!tpu.dma_semaphore, #tpu.memory_space<semaphore_mem>>) src(%dma_wait3A_72 : memref<32xi32, #tpu.memory_space<hbm>>) dst(%arg5 : memref<32xi32, #tpu.memory_space<vmem>>)
      tpu.yield
    }) : () -> ()
    %add3A_35 = arith.constant 32 : i32
    %add3A_36 = arith.addi %mul3A_34, %add3A_35 : i32
    "tpu.region"() ({
      %run_scoped3A = tpu.sem_alloc : memref<!tpu.dma_semaphore, #tpu.memory_space<semaphore_mem>>
      %dma_start3A_65 = tpu.memref_slice %arg3[%select_n3A, %add3A_36] : memref<16x128xi32, #tpu.memory_space<hbm>> -> memref<1x32xi32, #tpu.memory_space<hbm>>
      %dma_start3A_66 = tpu.memref_squeeze %dma_start3A_65 : memref<1x32xi32, #tpu.memory_space<hbm>> -> memref<32xi32, #tpu.memory_space<hbm>>
      %dma_start3A_67 = tpu.memref_slice %arg3[%select_n3A, %add3A_36] : memref<16x128xi32, #tpu.memory_space<hbm>> -> memref<1x32xi32, #tpu.memory_space<hbm>>
      %dma_start3A_68 = tpu.memref_squeeze %dma_start3A_67 : memref<1x32xi32, #tpu.memory_space<hbm>> -> memref<32xi32, #tpu.memory_space<hbm>>
      tpu.enqueue_dma source(%dma_start3A_68 : memref<32xi32, #tpu.memory_space<hbm>>) target(%arg6 : memref<32xi32, #tpu.memory_space<vmem>>) target_semaphore(%run_scoped3A : memref<!tpu.dma_semaphore, #tpu.memory_space<semaphore_mem>>)
      %dma_wait3A_69 = tpu.memref_slice %arg3[%select_n3A, %add3A_36] : memref<16x128xi32, #tpu.memory_space<hbm>> -> memref<1x32xi32, #tpu.memory_space<hbm>>
      %dma_wait3A_70 = tpu.memref_squeeze %dma_wait3A_69 : memref<1x32xi32, #tpu.memory_space<hbm>> -> memref<32xi32, #tpu.memory_space<hbm>>
      %dma_wait3A_71 = tpu.memref_slice %arg3[%select_n3A, %add3A_36] : memref<16x128xi32, #tpu.memory_space<hbm>> -> memref<1x32xi32, #tpu.memory_space<hbm>>
      %dma_wait3A_72 = tpu.memref_squeeze %dma_wait3A_71 : memref<1x32xi32, #tpu.memory_space<hbm>> -> memref<32xi32, #tpu.memory_space<hbm>>
      tpu.wait_dma2 semaphore(%run_scoped3A : memref<!tpu.dma_semaphore, #tpu.memory_space<semaphore_mem>>) src(%dma_wait3A_72 : memref<32xi32, #tpu.memory_space<hbm>>) dst(%arg6 : memref<32xi32, #tpu.memory_space<vmem>>)
      tpu.yield
    }) : () -> ()
    %dma_start3A = arith.constant 0 : i32
    %dma_start3A_37 = arith.constant 0 : i32
    %dma_start3A_38 = tpu.memref_slice %arg2[%dma_start3A, %dma_start3A_37] : memref<2048x768xf32, #tpu.memory_space<hbm>> -> memref<2048x768xf32, #tpu.memory_space<hbm>>
    tpu.enqueue_indirect_dma source(%dma_start3A_38 : memref<2048x768xf32, #tpu.memory_space<hbm>>) target(%arg7 : memref<32x768xf32, #tpu.memory_space<vmem>>) offsets(%arg5 : memref<32xi32, #tpu.memory_space<vmem>>) semaphore(%arg9 : memref<!tpu.dma_semaphore, #tpu.memory_space<semaphore_mem>>)
    %dma_start3A_39 = arith.constant 0 : i32
    %dma_start3A_40 = arith.constant 0 : i32
    %dma_start3A_41 = tpu.memref_slice %arg2[%dma_start3A_39, %dma_start3A_40] : memref<2048x768xf32, #tpu.memory_space<hbm>> -> memref<2048x768xf32, #tpu.memory_space<hbm>>
    tpu.enqueue_indirect_dma source(%dma_start3A_41 : memref<2048x768xf32, #tpu.memory_space<hbm>>) target(%arg8 : memref<32x768xf32, #tpu.memory_space<vmem>>) offsets(%arg6 : memref<32xi32, #tpu.memory_space<vmem>>) semaphore(%arg10 : memref<!tpu.dma_semaphore, #tpu.memory_space<semaphore_mem>>)
    %dma_wait3A = arith.constant 0 : i32
    %dma_wait3A_42 = arith.constant 0 : i32
    %dma_wait3A_43 = tpu.memref_slice %arg2[%dma_wait3A, %dma_wait3A_42] : memref<2048x768xf32, #tpu.memory_space<hbm>> -> memref<2048x768xf32, #tpu.memory_space<hbm>>
    tpu.wait_indirect_dma semaphore(%arg9 : memref<!tpu.dma_semaphore, #tpu.memory_space<semaphore_mem>>) src(%dma_wait3A_43 : memref<2048x768xf32, #tpu.memory_space<hbm>>) dst(%arg7 : memref<32x768xf32, #tpu.memory_space<vmem>>)
    %dma_start3A_44 = arith.constant 0 : i32
    %dma_start3A_45 = tpu.memref_slice %arg4[%mul3A_2, %dma_start3A_44] : memref<2048x768xf32, #tpu.memory_space<hbm>> -> memref<32x768xf32, #tpu.memory_space<hbm>>
    %dma_start3A_46 = arith.constant 0 : i32
    %dma_start3A_47 = tpu.memref_slice %arg4[%mul3A_2, %dma_start3A_46] : memref<2048x768xf32, #tpu.memory_space<hbm>> -> memref<32x768xf32, #tpu.memory_space<hbm>>
    tpu.enqueue_dma source(%arg7 : memref<32x768xf32, #tpu.memory_space<vmem>>) target(%dma_start3A_47 : memref<32x768xf32, #tpu.memory_space<hbm>>) target_semaphore(%arg11 : memref<!tpu.dma_semaphore, #tpu.memory_space<semaphore_mem>>)
    %dma_wait3A_48 = arith.constant 0 : i32
    %dma_wait3A_49 = arith.constant 0 : i32
    %dma_wait3A_50 = tpu.memref_slice %arg2[%dma_wait3A_48, %dma_wait3A_49] : memref<2048x768xf32, #tpu.memory_space<hbm>> -> memref<2048x768xf32, #tpu.memory_space<hbm>>
    tpu.wait_indirect_dma semaphore(%arg10 : memref<!tpu.dma_semaphore, #tpu.memory_space<semaphore_mem>>) src(%dma_wait3A_50 : memref<2048x768xf32, #tpu.memory_space<hbm>>) dst(%arg8 : memref<32x768xf32, #tpu.memory_space<vmem>>)
    %add3A_51 = arith.constant 32 : i32
    %add3A_52 = arith.addi %mul3A_2, %add3A_51 : i32
    %dma_start3A_53 = arith.constant 0 : i32
    %dma_start3A_54 = tpu.memref_slice %arg4[%add3A_52, %dma_start3A_53] : memref<2048x768xf32, #tpu.memory_space<hbm>> -> memref<32x768xf32, #tpu.memory_space<hbm>>
    %dma_start3A_55 = arith.constant 0 : i32
    %dma_start3A_56 = tpu.memref_slice %arg4[%add3A_52, %dma_start3A_55] : memref<2048x768xf32, #tpu.memory_space<hbm>> -> memref<32x768xf32, #tpu.memory_space<hbm>>
    tpu.enqueue_dma source(%arg8 : memref<32x768xf32, #tpu.memory_space<vmem>>) target(%dma_start3A_56 : memref<32x768xf32, #tpu.memory_space<hbm>>) target_semaphore(%arg11 : memref<!tpu.dma_semaphore, #tpu.memory_space<semaphore_mem>>)
    %dma_wait3A_57 = arith.constant 0 : i32
    %dma_wait3A_58 = tpu.memref_slice %arg4[%mul3A_2, %dma_wait3A_57] : memref<2048x768xf32, #tpu.memory_space<hbm>> -> memref<32x768xf32, #tpu.memory_space<hbm>>
    %dma_wait3A_59 = arith.constant 0 : i32
    %dma_wait3A_60 = tpu.memref_slice %arg4[%mul3A_2, %dma_wait3A_59] : memref<2048x768xf32, #tpu.memory_space<hbm>> -> memref<32x768xf32, #tpu.memory_space<hbm>>
    tpu.wait_dma2 semaphore(%arg11 : memref<!tpu.dma_semaphore, #tpu.memory_space<semaphore_mem>>) src(%arg7 : memref<32x768xf32, #tpu.memory_space<vmem>>) dst(%dma_wait3A_60 : memref<32x768xf32, #tpu.memory_space<hbm>>)
    %dma_wait3A_61 = arith.constant 0 : i32
    %dma_wait3A_62 = tpu.memref_slice %arg4[%add3A_52, %dma_wait3A_61] : memref<2048x768xf32, #tpu.memory_space<hbm>> -> memref<32x768xf32, #tpu.memory_space<hbm>>
    %dma_wait3A_63 = arith.constant 0 : i32
    %dma_wait3A_64 = tpu.memref_slice %arg4[%add3A_52, %dma_wait3A_63] : memref<2048x768xf32, #tpu.memory_space<hbm>> -> memref<32x768xf32, #tpu.memory_space<hbm>>
    tpu.wait_dma2 semaphore(%arg11 : memref<!tpu.dma_semaphore, #tpu.memory_space<semaphore_mem>>) src(%arg8 : memref<32x768xf32, #tpu.memory_space<vmem>>) dst(%dma_wait3A_64 : memref<32x768xf32, #tpu.memory_space<hbm>>)
    return
  }
}

#map = affine_map<(d0, d1) -> (0, 0)>
module attributes {stable_mosaic.version = 14 : i64} {
  func.func @sc_scatter_rows(%arg0: i32, %arg1: i32, %arg2: memref<2048x768xf32, #tpu.memory_space<hbm>>, %arg3: memref<16x128xi32, #tpu.memory_space<hbm>>, %arg4: memref<2048x768xf32, #tpu.memory_space<hbm>>, %arg5: memref<32xi32, #tpu.memory_space<vmem>>, %arg6: memref<32xi32, #tpu.memory_space<vmem>>, %arg7: memref<32x768xf32, #tpu.memory_space<vmem>>, %arg8: memref<32x768xf32, #tpu.memory_space<vmem>>, %arg9: memref<!tpu.dma_semaphore, #tpu.memory_space<semaphore_mem>>, %arg10: memref<!tpu.dma_semaphore, #tpu.memory_space<semaphore_mem>>, %arg11: memref<!tpu.dma_semaphore, #tpu.memory_space<semaphore_mem>>) attributes {dimension_semantics = [#tpu.dimension_semantics<core_parallel>, #tpu.dimension_semantics<subcore_parallel>], iteration_bounds = array<i64: 2, 16>, scalar_prefetch = 0 : i64, scratch_operands = 7 : i64, tpu.core_type = #tpu.core_type<sc_vector_subcore>, window_params = [{transform_indices = #map}, {transform_indices = #map}, {transform_indices = #map}]} {
    %mul3A = arith.constant 2 : i32
    %mul3A_0 = arith.muli %arg1, %mul3A : i32
    %add3A = arith.addi %mul3A_0, %arg0 : i32
    %mul3A_1 = arith.constant 64 : i32
    %mul3A_2 = arith.muli %add3A, %mul3A_1 : i32
    %jit3A = arith.constant 2 : i32
    %div3A = arith.divsi %add3A, %jit3A : i32
    %sign3A = arith.constant 0 : i32
    %sign3A_3 = arith.cmpi sgt, %add3A, %sign3A : i32
    %sign3A_4 = arith.extui %sign3A_3 : i1 to i32
    %sign3A_5 = arith.constant 0 : i32
    %sign3A_6 = arith.cmpi slt, %add3A, %sign3A_5 : i32
    %sign3A_7 = arith.extui %sign3A_6 : i1 to i32
    %sign3A_8 = arith.subi %sign3A_4, %sign3A_7 : i32
    %sign3A_9 = arith.constant 0 : i32
    %sign3A_10 = arith.cmpi sgt, %jit3A, %sign3A_9 : i32
    %sign3A_11 = arith.extui %sign3A_10 : i1 to i32
    %sign3A_12 = arith.constant 0 : i32
    %sign3A_13 = arith.cmpi slt, %jit3A, %sign3A_12 : i32
    %sign3A_14 = arith.extui %sign3A_13 : i1 to i32
    %sign3A_15 = arith.subi %sign3A_11, %sign3A_14 : i32
    %ne3A = arith.cmpi ne, %sign3A_8, %sign3A_15 : i32
    %rem3A = arith.remsi %add3A, %jit3A : i32
    %ne3A_16 = arith.constant 0 : i32
    %ne3A_17 = arith.cmpi ne, %rem3A, %ne3A_16 : i32
    %and3A = arith.andi %ne3A, %ne3A_17 : i1
    %sub3A = arith.constant 1 : i32
    %sub3A_18 = arith.subi %div3A, %sub3A : i32
    %select_n3A = arith.select %and3A, %sub3A_18, %div3A : i32
    %jit3A_19 = arith.constant 2 : i32
    %eq3A = arith.constant 0 : i32
    %eq3A_20 = arith.cmpi eq, %jit3A_19, %eq3A : i32
    %jit3A_21 = arith.constant 1 : i32
    %select_n3A_22 = arith.select %eq3A_20, %jit3A_21, %jit3A_19 : i32
    %rem3A_23 = arith.remsi %add3A, %select_n3A_22 : i32
    %ne3A_24 = arith.constant 0 : i32
    %ne3A_25 = arith.cmpi ne, %rem3A_23, %ne3A_24 : i32
    %lt3A = arith.constant 0 : i32
    %lt3A_26 = arith.cmpi slt, %rem3A_23, %lt3A : i32
    %lt3A_27 = arith.constant 0 : i32
    %lt3A_28 = arith.cmpi slt, %select_n3A_22, %lt3A_27 : i32
    %ne3A_29 = arith.xori %lt3A_26, %lt3A_28 : i1
    %and3A_30 = arith.andi %ne3A_29, %ne3A_25 : i1
    %add3A_31 = arith.addi %rem3A_23, %select_n3A_22 : i32
    %select_n3A_32 = arith.select %and3A_30, %add3A_31, %rem3A_23 : i32
    %mul3A_33 = arith.constant 64 : i32
    %mul3A_34 = arith.muli %select_n3A_32, %mul3A_33 : i32
    %dma_start3A = arith.constant 0 : i32
    %dma_start3A_35 = tpu.memref_slice %arg2[%mul3A_2, %dma_start3A] : memref<2048x768xf32, #tpu.memory_space<hbm>> -> memref<32x768xf32, #tpu.memory_space<hbm>>
    %dma_start3A_36 = arith.constant 0 : i32
    %dma_start3A_37 = tpu.memref_slice %arg2[%mul3A_2, %dma_start3A_36] : memref<2048x768xf32, #tpu.memory_space<hbm>> -> memref<32x768xf32, #tpu.memory_space<hbm>>
    tpu.enqueue_dma source(%dma_start3A_37 : memref<32x768xf32, #tpu.memory_space<hbm>>) target(%arg7 : memref<32x768xf32, #tpu.memory_space<vmem>>) target_semaphore(%arg9 : memref<!tpu.dma_semaphore, #tpu.memory_space<semaphore_mem>>)
    %add3A_38 = arith.constant 32 : i32
    %add3A_39 = arith.addi %mul3A_2, %add3A_38 : i32
    %dma_start3A_40 = arith.constant 0 : i32
    %dma_start3A_41 = tpu.memref_slice %arg2[%add3A_39, %dma_start3A_40] : memref<2048x768xf32, #tpu.memory_space<hbm>> -> memref<32x768xf32, #tpu.memory_space<hbm>>
    %dma_start3A_42 = arith.constant 0 : i32
    %dma_start3A_43 = tpu.memref_slice %arg2[%add3A_39, %dma_start3A_42] : memref<2048x768xf32, #tpu.memory_space<hbm>> -> memref<32x768xf32, #tpu.memory_space<hbm>>
    tpu.enqueue_dma source(%dma_start3A_43 : memref<32x768xf32, #tpu.memory_space<hbm>>) target(%arg8 : memref<32x768xf32, #tpu.memory_space<vmem>>) target_semaphore(%arg10 : memref<!tpu.dma_semaphore, #tpu.memory_space<semaphore_mem>>)
    "tpu.region"() ({
      %run_scoped3A = tpu.sem_alloc : memref<!tpu.dma_semaphore, #tpu.memory_space<semaphore_mem>>
      %dma_start3A_65 = tpu.memref_slice %arg3[%select_n3A, %mul3A_34] : memref<16x128xi32, #tpu.memory_space<hbm>> -> memref<1x32xi32, #tpu.memory_space<hbm>>
      %dma_start3A_66 = tpu.memref_squeeze %dma_start3A_65 : memref<1x32xi32, #tpu.memory_space<hbm>> -> memref<32xi32, #tpu.memory_space<hbm>>
      %dma_start3A_67 = tpu.memref_slice %arg3[%select_n3A, %mul3A_34] : memref<16x128xi32, #tpu.memory_space<hbm>> -> memref<1x32xi32, #tpu.memory_space<hbm>>
      %dma_start3A_68 = tpu.memref_squeeze %dma_start3A_67 : memref<1x32xi32, #tpu.memory_space<hbm>> -> memref<32xi32, #tpu.memory_space<hbm>>
      tpu.enqueue_dma source(%dma_start3A_68 : memref<32xi32, #tpu.memory_space<hbm>>) target(%arg5 : memref<32xi32, #tpu.memory_space<vmem>>) target_semaphore(%run_scoped3A : memref<!tpu.dma_semaphore, #tpu.memory_space<semaphore_mem>>)
      %dma_wait3A_69 = tpu.memref_slice %arg3[%select_n3A, %mul3A_34] : memref<16x128xi32, #tpu.memory_space<hbm>> -> memref<1x32xi32, #tpu.memory_space<hbm>>
      %dma_wait3A_70 = tpu.memref_squeeze %dma_wait3A_69 : memref<1x32xi32, #tpu.memory_space<hbm>> -> memref<32xi32, #tpu.memory_space<hbm>>
      %dma_wait3A_71 = tpu.memref_slice %arg3[%select_n3A, %mul3A_34] : memref<16x128xi32, #tpu.memory_space<hbm>> -> memref<1x32xi32, #tpu.memory_space<hbm>>
      %dma_wait3A_72 = tpu.memref_squeeze %dma_wait3A_71 : memref<1x32xi32, #tpu.memory_space<hbm>> -> memref<32xi32, #tpu.memory_space<hbm>>
      tpu.wait_dma2 semaphore(%run_scoped3A : memref<!tpu.dma_semaphore, #tpu.memory_space<semaphore_mem>>) src(%dma_wait3A_72 : memref<32xi32, #tpu.memory_space<hbm>>) dst(%arg5 : memref<32xi32, #tpu.memory_space<vmem>>)
      tpu.yield
    }) : () -> ()
    %add3A_44 = arith.constant 32 : i32
    %add3A_45 = arith.addi %mul3A_34, %add3A_44 : i32
    "tpu.region"() ({
      %run_scoped3A = tpu.sem_alloc : memref<!tpu.dma_semaphore, #tpu.memory_space<semaphore_mem>>
      %dma_start3A_65 = tpu.memref_slice %arg3[%select_n3A, %add3A_45] : memref<16x128xi32, #tpu.memory_space<hbm>> -> memref<1x32xi32, #tpu.memory_space<hbm>>
      %dma_start3A_66 = tpu.memref_squeeze %dma_start3A_65 : memref<1x32xi32, #tpu.memory_space<hbm>> -> memref<32xi32, #tpu.memory_space<hbm>>
      %dma_start3A_67 = tpu.memref_slice %arg3[%select_n3A, %add3A_45] : memref<16x128xi32, #tpu.memory_space<hbm>> -> memref<1x32xi32, #tpu.memory_space<hbm>>
      %dma_start3A_68 = tpu.memref_squeeze %dma_start3A_67 : memref<1x32xi32, #tpu.memory_space<hbm>> -> memref<32xi32, #tpu.memory_space<hbm>>
      tpu.enqueue_dma source(%dma_start3A_68 : memref<32xi32, #tpu.memory_space<hbm>>) target(%arg6 : memref<32xi32, #tpu.memory_space<vmem>>) target_semaphore(%run_scoped3A : memref<!tpu.dma_semaphore, #tpu.memory_space<semaphore_mem>>)
      %dma_wait3A_69 = tpu.memref_slice %arg3[%select_n3A, %add3A_45] : memref<16x128xi32, #tpu.memory_space<hbm>> -> memref<1x32xi32, #tpu.memory_space<hbm>>
      %dma_wait3A_70 = tpu.memref_squeeze %dma_wait3A_69 : memref<1x32xi32, #tpu.memory_space<hbm>> -> memref<32xi32, #tpu.memory_space<hbm>>
      %dma_wait3A_71 = tpu.memref_slice %arg3[%select_n3A, %add3A_45] : memref<16x128xi32, #tpu.memory_space<hbm>> -> memref<1x32xi32, #tpu.memory_space<hbm>>
      %dma_wait3A_72 = tpu.memref_squeeze %dma_wait3A_71 : memref<1x32xi32, #tpu.memory_space<hbm>> -> memref<32xi32, #tpu.memory_space<hbm>>
      tpu.wait_dma2 semaphore(%run_scoped3A : memref<!tpu.dma_semaphore, #tpu.memory_space<semaphore_mem>>) src(%dma_wait3A_72 : memref<32xi32, #tpu.memory_space<hbm>>) dst(%arg6 : memref<32xi32, #tpu.memory_space<vmem>>)
      tpu.yield
    }) : () -> ()
    %dma_wait3A = arith.constant 0 : i32
    %dma_wait3A_46 = tpu.memref_slice %arg2[%mul3A_2, %dma_wait3A] : memref<2048x768xf32, #tpu.memory_space<hbm>> -> memref<32x768xf32, #tpu.memory_space<hbm>>
    %dma_wait3A_47 = arith.constant 0 : i32
    %dma_wait3A_48 = tpu.memref_slice %arg2[%mul3A_2, %dma_wait3A_47] : memref<2048x768xf32, #tpu.memory_space<hbm>> -> memref<32x768xf32, #tpu.memory_space<hbm>>
    tpu.wait_dma2 semaphore(%arg9 : memref<!tpu.dma_semaphore, #tpu.memory_space<semaphore_mem>>) src(%dma_wait3A_48 : memref<32x768xf32, #tpu.memory_space<hbm>>) dst(%arg7 : memref<32x768xf32, #tpu.memory_space<vmem>>)
    %dma_start3A_49 = arith.constant 0 : i32
    %dma_start3A_50 = arith.constant 0 : i32
    %dma_start3A_51 = tpu.memref_slice %arg4[%dma_start3A_49, %dma_start3A_50] : memref<2048x768xf32, #tpu.memory_space<hbm>> -> memref<2048x768xf32, #tpu.memory_space<hbm>>
    tpu.enqueue_indirect_dma source(%arg7 : memref<32x768xf32, #tpu.memory_space<vmem>>) target(%dma_start3A_51 : memref<2048x768xf32, #tpu.memory_space<hbm>>) offsets(%arg5 : memref<32xi32, #tpu.memory_space<vmem>>) semaphore(%arg11 : memref<!tpu.dma_semaphore, #tpu.memory_space<semaphore_mem>>)
    %dma_wait3A_52 = arith.constant 0 : i32
    %dma_wait3A_53 = tpu.memref_slice %arg2[%add3A_39, %dma_wait3A_52] : memref<2048x768xf32, #tpu.memory_space<hbm>> -> memref<32x768xf32, #tpu.memory_space<hbm>>
    %dma_wait3A_54 = arith.constant 0 : i32
    %dma_wait3A_55 = tpu.memref_slice %arg2[%add3A_39, %dma_wait3A_54] : memref<2048x768xf32, #tpu.memory_space<hbm>> -> memref<32x768xf32, #tpu.memory_space<hbm>>
    tpu.wait_dma2 semaphore(%arg10 : memref<!tpu.dma_semaphore, #tpu.memory_space<semaphore_mem>>) src(%dma_wait3A_55 : memref<32x768xf32, #tpu.memory_space<hbm>>) dst(%arg8 : memref<32x768xf32, #tpu.memory_space<vmem>>)
    %dma_start3A_56 = arith.constant 0 : i32
    %dma_start3A_57 = arith.constant 0 : i32
    %dma_start3A_58 = tpu.memref_slice %arg4[%dma_start3A_56, %dma_start3A_57] : memref<2048x768xf32, #tpu.memory_space<hbm>> -> memref<2048x768xf32, #tpu.memory_space<hbm>>
    tpu.enqueue_indirect_dma source(%arg8 : memref<32x768xf32, #tpu.memory_space<vmem>>) target(%dma_start3A_58 : memref<2048x768xf32, #tpu.memory_space<hbm>>) offsets(%arg6 : memref<32xi32, #tpu.memory_space<vmem>>) semaphore(%arg11 : memref<!tpu.dma_semaphore, #tpu.memory_space<semaphore_mem>>)
    %dma_wait3A_59 = arith.constant 0 : i32
    %dma_wait3A_60 = arith.constant 0 : i32
    %dma_wait3A_61 = tpu.memref_slice %arg4[%dma_wait3A_59, %dma_wait3A_60] : memref<2048x768xf32, #tpu.memory_space<hbm>> -> memref<2048x768xf32, #tpu.memory_space<hbm>>
    tpu.wait_indirect_dma semaphore(%arg11 : memref<!tpu.dma_semaphore, #tpu.memory_space<semaphore_mem>>) src(%arg7 : memref<32x768xf32, #tpu.memory_space<vmem>>) dst(%dma_wait3A_61 : memref<2048x768xf32, #tpu.memory_space<hbm>>)
    %dma_wait3A_62 = arith.constant 0 : i32
    %dma_wait3A_63 = arith.constant 0 : i32
    %dma_wait3A_64 = tpu.memref_slice %arg4[%dma_wait3A_62, %dma_wait3A_63] : memref<2048x768xf32, #tpu.memory_space<hbm>> -> memref<2048x768xf32, #tpu.memory_space<hbm>>
    tpu.wait_indirect_dma semaphore(%arg11 : memref<!tpu.dma_semaphore, #tpu.memory_space<semaphore_mem>>) src(%arg8 : memref<32x768xf32, #tpu.memory_space<vmem>>) dst(%dma_wait3A_64 : memref<2048x768xf32, #tpu.memory_space<hbm>>)
    return
  }
}

module attributes {stable_mosaic.version = 14 : i64} {
  func.func @_gmm_body(%arg0: i32, %arg1: memref<72x1xi32, #tpu.memory_space<smem>>, %arg2: memref<72x1xi32, #tpu.memory_space<smem>>, %arg3: memref<72x1xi32, #tpu.memory_space<smem>>, %arg4: memref<72x1xi32, #tpu.memory_space<smem>>, %arg5: memref<256x768xf32, #tpu.memory_space<vmem>>, %arg6: memref<1x768x768xf32, #tpu.memory_space<vmem>>, %arg7: memref<64x768xf32, #tpu.memory_space<vmem>>, %arg8: memref<256x768xf32, #tpu.memory_space<vmem>>) attributes {dimension_semantics = [#tpu.dimension_semantics<arbitrary>], iteration_bounds = array<i64: 72>, scalar_prefetch = 4 : i64, scratch_operands = 0 : i64, tpu.core_type = #tpu.core_type<tc>, window_params = [{transform_indices = @transform_0, window_bounds = array<i64: 256, 768>}, {transform_indices = @transform_1, window_bounds = array<i64: 1, 768, 768>}, {pipeline_mode = #tpu.pipeline_mode<synchronous>, transform_indices = @transform_2, window_bounds = array<i64: 64, 768>}, {transform_indices = @transform_3, window_bounds = array<i64: 256, 768>}]} {
    %get3A = arith.index_cast %arg0 : i32 to index
    %get3A_0 = arith.constant 0 : index
    %get3A_1 = memref.load %arg3[%get3A, %get3A_0] : memref<72x1xi32, #tpu.memory_space<smem>>
    %get3A_2 = arith.index_cast %arg0 : i32 to index
    %get3A_3 = arith.constant 0 : index
    %get3A_4 = memref.load %arg4[%get3A_2, %get3A_3] : memref<72x1xi32, #tpu.memory_space<smem>>
    %get3A_5 = arith.index_cast %arg0 : i32 to index
    %get3A_6 = arith.constant 0 : index
    %get3A_7 = memref.load %arg2[%get3A_5, %get3A_6] : memref<72x1xi32, #tpu.memory_space<smem>>
    %lt3A = arith.cmpi slt, %get3A_1, %get3A_4 : i32
    %convert_element_type3A = arith.extui %lt3A : i1 to i32
    %cond3A = arith.constant 0 : i32
    %cond3A_8 = arith.cmpi ne, %convert_element_type3A, %cond3A : i32
    scf.if %cond3A_8 {
      %get3A_9 = arith.constant 0 : index
      %get3A_10 = arith.constant 0 : index
      %get3A_11 = vector.load %arg5[%get3A_9, %get3A_10] : memref<256x768xf32, #tpu.memory_space<vmem>>, vector<256x768xf32>
      %get3A_12 = arith.constant 0 : index
      %get3A_13 = arith.constant 0 : index
      %get3A_14 = arith.constant 0 : index
      %get3A_15 = vector.load %arg6[%get3A_12, %get3A_13, %get3A_14] : memref<1x768x768xf32, #tpu.memory_space<vmem>>, vector<1x768x768xf32>
      %get3A_16 = vector.shape_cast %get3A_15 : vector<1x768x768xf32> to vector<768x768xf32>
      %dot_general3A = arith.constant dense<0.000000e+00> : vector<256x768xf32>
      %dot_general3A_17 = tpu.matmul %get3A_11, %get3A_16, %dot_general3A {dimension_numbers = #tpu.dot_dimension_numbers<[1], [1], [0], [0], [0, 0, 1, 0], [], []>, transpose_lhs_hint = false} : vector<256x768xf32>, vector<768x768xf32>, vector<256x768xf32> -> vector<256x768xf32>
      %get3A_18 = arith.index_cast %arg0 : i32 to index
      %get3A_19 = arith.constant 0 : index
      %get3A_20 = memref.load %arg1[%get3A_18, %get3A_19] : memref<72x1xi32, #tpu.memory_space<smem>>
      %get3A_21 = arith.index_cast %get3A_20 : i32 to index
      %get3A_22 = arith.constant 0 : index
      %get3A_23 = vector.load %arg7[%get3A_21, %get3A_22] : memref<64x768xf32, #tpu.memory_space<vmem>>, vector<1x768xf32>
      %add3A = vector.broadcast %get3A_23 : vector<1x768xf32> to vector<256x768xf32>
      %add3A_24 = arith.addf %dot_general3A_17, %add3A : vector<256x768xf32>
      %mul3A = arith.constant 256 : i32
      %mul3A_25 = arith.muli %get3A_7, %mul3A : i32
      %iota3A = tpu.iota {dimensions = array<i32: 0>} : vector<256x768xi32>
      %add3A_26 = vector.broadcast %mul3A_25 : i32 to vector<256x768xi32>
      %add3A_27 = arith.addi %add3A_26, %iota3A : vector<256x768xi32>
      %ge3A = vector.broadcast %get3A_1 : i32 to vector<256x768xi32>
      %ge3A_28 = arith.cmpi sge, %add3A_27, %ge3A : vector<256x768xi32>
      %lt3A_29 = vector.broadcast %get3A_4 : i32 to vector<256x768xi32>
      %lt3A_30 = arith.cmpi slt, %add3A_27, %lt3A_29 : vector<256x768xi32>
      %and3A = arith.andi %ge3A_28, %lt3A_30 : vector<256x768xi1>
      %get3A_31 = arith.constant 0 : index
      %get3A_32 = arith.constant 0 : index
      %get3A_33 = vector.load %arg8[%get3A_31, %get3A_32] : memref<256x768xf32, #tpu.memory_space<vmem>>, vector<256x768xf32>
      %select_n3A = arith.select %and3A, %add3A_24, %get3A_33 : vector<256x768xi1>, vector<256x768xf32>
      %swap3A = arith.constant 0 : index
      %swap3A_34 = arith.constant 0 : index
      %swap3A_35 = vector.load %arg8[%swap3A, %swap3A_34] : memref<256x768xf32, #tpu.memory_space<vmem>>, vector<256x768xf32>
      tpu.vector_store %arg8[%swap3A, %swap3A_34], %select_n3A {strides = array<i32>} : memref<256x768xf32, #tpu.memory_space<vmem>>, vector<256x768xf32>,
    } else {
    }
    return
  }
  func.func @transform_0(%arg0: i32, %arg1: memref<72x1xi32, #tpu.memory_space<smem>>, %arg2: memref<72x1xi32, #tpu.memory_space<smem>>, %arg3: memref<72x1xi32, #tpu.memory_space<smem>>, %arg4: memref<72x1xi32, #tpu.memory_space<smem>>) -> (i32, i32) {
    %get3A = arith.index_cast %arg0 : i32 to index
    %get3A_0 = arith.constant 0 : index
    %get3A_1 = memref.load %arg2[%get3A, %get3A_0] : memref<72x1xi32, #tpu.memory_space<smem>>
    %c0_i32 = arith.constant 0 : i32
    %c0_i32_2 = arith.constant 0 : i32
    return %get3A_1, %c0_i32 : i32, i32
  }
  func.func @transform_1(%arg0: i32, %arg1: memref<72x1xi32, #tpu.memory_space<smem>>, %arg2: memref<72x1xi32, #tpu.memory_space<smem>>, %arg3: memref<72x1xi32, #tpu.memory_space<smem>>, %arg4: memref<72x1xi32, #tpu.memory_space<smem>>) -> (i32, i32, i32) {
    %get3A = arith.index_cast %arg0 : i32 to index
    %get3A_0 = arith.constant 0 : index
    %get3A_1 = memref.load %arg1[%get3A, %get3A_0] : memref<72x1xi32, #tpu.memory_space<smem>>
    %c0_i32 = arith.constant 0 : i32
    %c0_i32_2 = arith.constant 0 : i32
    %c0_i32_3 = arith.constant 0 : i32
    return %get3A_1, %c0_i32, %c0_i32_2 : i32, i32, i32
  }
  func.func @transform_2(%arg0: i32, %arg1: memref<72x1xi32, #tpu.memory_space<smem>>, %arg2: memref<72x1xi32, #tpu.memory_space<smem>>, %arg3: memref<72x1xi32, #tpu.memory_space<smem>>, %arg4: memref<72x1xi32, #tpu.memory_space<smem>>) -> (i32, i32) {
    %c0_i32 = arith.constant 0 : i32
    %c0_i32_0 = arith.constant 0 : i32
    %c0_i32_1 = arith.constant 0 : i32
    return %c0_i32, %c0_i32_0 : i32, i32
  }
  func.func @transform_3(%arg0: i32, %arg1: memref<72x1xi32, #tpu.memory_space<smem>>, %arg2: memref<72x1xi32, #tpu.memory_space<smem>>, %arg3: memref<72x1xi32, #tpu.memory_space<smem>>, %arg4: memref<72x1xi32, #tpu.memory_space<smem>>) -> (i32, i32) {
    %get3A = arith.index_cast %arg0 : i32 to index
    %get3A_0 = arith.constant 0 : index
    %get3A_1 = memref.load %arg2[%get3A, %get3A_0] : memref<72x1xi32, #tpu.memory_space<smem>>
    %c0_i32 = arith.constant 0 : i32
    %c0_i32_2 = arith.constant 0 : i32
    return %get3A_1, %c0_i32 : i32, i32
  }
}

module attributes {stable_mosaic.version = 14 : i64} {
  func.func @_router_body(%arg0: memref<2048x768xf32, #tpu.memory_space<vmem>>, %arg1: memref<64x768xf32, #tpu.memory_space<vmem>>, %arg2: memref<1x64xf32, #tpu.memory_space<vmem>>, %arg3: memref<16x128xi32, #tpu.memory_space<vmem>>, %arg4: memref<72x1xi32, #tpu.memory_space<vmem>>, %arg5: memref<72x1xi32, #tpu.memory_space<vmem>>, %arg6: memref<72x1xi32, #tpu.memory_space<vmem>>, %arg7: memref<72x1xi32, #tpu.memory_space<vmem>>) attributes {dimension_semantics = [], scalar_prefetch = 0 : i64, scratch_operands = 0 : i64, tpu.core_type = #tpu.core_type<tc>} {
    %get3A = arith.constant 0 : index
    %get3A_0 = arith.constant 0 : index
    %get3A_1 = vector.load %arg0[%get3A, %get3A_0] : memref<2048x768xf32, #tpu.memory_space<vmem>>, vector<2048x768xf32>
    %get3A_2 = arith.constant 0 : index
    %get3A_3 = arith.constant 0 : index
    %get3A_4 = vector.load %arg1[%get3A_2, %get3A_3] : memref<64x768xf32, #tpu.memory_space<vmem>>, vector<64x768xf32>
    %dot_general3A = arith.constant dense<0.000000e+00> : vector<2048x64xf32>
    %dot_general3A_5 = tpu.matmul %get3A_1, %get3A_4, %dot_general3A {dimension_numbers = #tpu.dot_dimension_numbers<[1], [1], [0], [0], [0, 0, 1, 0], [], []>, transpose_lhs_hint = false} : vector<2048x768xf32>, vector<64x768xf32>, vector<2048x64xf32> -> vector<2048x64xf32>
    %get3A_6 = arith.constant 0 : index
    %get3A_7 = arith.constant 0 : index
    %get3A_8 = vector.load %arg2[%get3A_6, %get3A_7] : memref<1x64xf32, #tpu.memory_space<vmem>>, vector<1x64xf32>
    %add3A = vector.broadcast %get3A_8 : vector<1x64xf32> to vector<2048x64xf32>
    %add3A_9 = arith.addf %dot_general3A_5, %add3A : vector<2048x64xf32>
    %reduce_max3A = arith.constant dense<0xFF800000> : vector<2048xf32>
    %reduce_max3A_10 = vector.multi_reduction <maximumf>, %add3A_9, %reduce_max3A [1] : vector<2048x64xf32> to vector<2048xf32>
    %broadcast_in_dim3A = vector.shape_cast %reduce_max3A_10 : vector<2048xf32> to vector<2048x1xf32>
    %iota3A = tpu.iota {dimensions = array<i32: 1>} : vector<2048x64xi32>
    %eq3A = vector.broadcast %broadcast_in_dim3A : vector<2048x1xf32> to vector<2048x64xf32>
    %eq3A_11 = arith.cmpf oeq, %add3A_9, %eq3A : vector<2048x64xf32>
    %jit3A = arith.constant 64 : i32
    %broadcast_in_dim3A_12 = vector.broadcast %jit3A : i32 to vector<2048x64xi32>
    %select_n3A = arith.select %eq3A_11, %iota3A, %broadcast_in_dim3A_12 : vector<2048x64xi1>, vector<2048x64xi32>
    %reduce_min3A = arith.constant dense<2147483647> : vector<2048xi32>
    %reduce_min3A_13 = vector.multi_reduction <minsi>, %select_n3A, %reduce_min3A [1] : vector<2048x64xi32> to vector<2048xi32>
    %broadcast_in_dim3A_14 = vector.shape_cast %reduce_min3A_13 : vector<2048xi32> to vector<2048x1xi32>
    %eq3A_15 = vector.broadcast %broadcast_in_dim3A_14 : vector<2048x1xi32> to vector<2048x64xi32>
    %eq3A_16 = arith.cmpi eq, %iota3A, %eq3A_15 : vector<2048x64xi32>
    %convert_element_type3A = arith.extui %eq3A_16 : vector<2048x64xi1> to vector<2048x64xi32>
    %convert_element_type3A_17 = arith.sitofp %convert_element_type3A : vector<2048x64xi32> to vector<2048x64xf32>
    %reduce_sum3A = arith.constant dense<0.000000e+00> : vector<64xf32>
    %reduce_sum3A_18 = vector.multi_reduction <add>, %convert_element_type3A_17, %reduce_sum3A [0] : vector<2048x64xf32> to vector<64xf32>
    %broadcast_in_dim3A_19 = vector.shape_cast %reduce_sum3A_18 : vector<64xf32> to vector<1x64xf32>
    %iota3A_20 = tpu.iota {dimensions = array<i32: 0>} : vector<64x64xi32>
    %iota3A_21 = tpu.iota {dimensions = array<i32: 1>} : vector<64x64xi32>
    %lt3A = arith.cmpi slt, %iota3A_20, %iota3A_21 : vector<64x64xi32>
    %convert_element_type3A_22 = arith.extui %lt3A : vector<64x64xi1> to vector<64x64xi32>
    %convert_element_type3A_23 = arith.sitofp %convert_element_type3A_22 : vector<64x64xi32> to vector<64x64xf32>
    %dot_general3A_24 = arith.constant dense<0.000000e+00> : vector<1x64xf32>
    %dot_general3A_25 = tpu.matmul %broadcast_in_dim3A_19, %convert_element_type3A_23, %dot_general3A_24 {dimension_numbers = #tpu.dot_dimension_numbers<[1], [0], [0], [1], [0, 0, 1, 1], [], []>, transpose_lhs_hint = false} : vector<1x64xf32>, vector<64x64xf32>, vector<1x64xf32> -> vector<1x64xf32>
    %broadcast_in_dim3A_26 = arith.constant 0.000000e+00 : f32
    %broadcast_in_dim3A_27 = vector.broadcast %broadcast_in_dim3A_26 : f32 to vector<1x64xf32>
    %iota3A_28 = tpu.iota {dimensions = array<i32: 0>} : vector<256x256xi32>
    %iota3A_29 = tpu.iota {dimensions = array<i32: 1>} : vector<256x256xi32>
    %gt3A = arith.cmpi sgt, %iota3A_28, %iota3A_29 : vector<256x256xi32>
    %convert_element_type3A_30 = arith.extui %gt3A : vector<256x256xi1> to vector<256x256xi32>
    %convert_element_type3A_31 = arith.sitofp %convert_element_type3A_30 : vector<256x256xi32> to vector<256x256xf32>
    %slice3A = vector.extract_strided_slice %convert_element_type3A_17 {offsets = [0, 0], sizes = [256, 64], strides = [1, 1]} : vector<2048x64xf32> to vector<256x64xf32>
    %dot_general3A_32 = arith.constant dense<0.000000e+00> : vector<256x64xf32>
    %dot_general3A_33 = tpu.matmul %convert_element_type3A_31, %slice3A, %dot_general3A_32 {dimension_numbers = #tpu.dot_dimension_numbers<[1], [0], [0], [1], [0, 0, 1, 1], [], []>, transpose_lhs_hint = false} : vector<256x256xf32>, vector<256x64xf32>, vector<256x64xf32> -> vector<256x64xf32>
    %add3A_34 = vector.broadcast %broadcast_in_dim3A_27 : vector<1x64xf32> to vector<256x64xf32>
    %add3A_35 = arith.addf %dot_general3A_33, %add3A_34 : vector<256x64xf32>
    %reduce_sum3A_36 = arith.constant dense<0.000000e+00> : vector<64xf32>
    %reduce_sum3A_37 = vector.multi_reduction <add>, %slice3A, %reduce_sum3A_36 [0] : vector<256x64xf32> to vector<64xf32>
    %broadcast_in_dim3A_38 = vector.shape_cast %reduce_sum3A_37 : vector<64xf32> to vector<1x64xf32>
    %add3A_39 = arith.addf %broadcast_in_dim3A_27, %broadcast_in_dim3A_38 : vector<1x64xf32>
    %slice3A_40 = vector.extract_strided_slice %convert_element_type3A_17 {offsets = [256, 0], sizes = [256, 64], strides = [1, 1]} : vector<2048x64xf32> to vector<256x64xf32>
    %dot_general3A_41 = arith.constant dense<0.000000e+00> : vector<256x64xf32>
    %dot_general3A_42 = tpu.matmul %convert_element_type3A_31, %slice3A_40, %dot_general3A_41 {dimension_numbers = #tpu.dot_dimension_numbers<[1], [0], [0], [1], [0, 0, 1, 1], [], []>, transpose_lhs_hint = false} : vector<256x256xf32>, vector<256x64xf32>, vector<256x64xf32> -> vector<256x64xf32>
    %add3A_43 = vector.broadcast %add3A_39 : vector<1x64xf32> to vector<256x64xf32>
    %add3A_44 = arith.addf %dot_general3A_42, %add3A_43 : vector<256x64xf32>
    %reduce_sum3A_45 = arith.constant dense<0.000000e+00> : vector<64xf32>
    %reduce_sum3A_46 = vector.multi_reduction <add>, %slice3A_40, %reduce_sum3A_45 [0] : vector<256x64xf32> to vector<64xf32>
    %broadcast_in_dim3A_47 = vector.shape_cast %reduce_sum3A_46 : vector<64xf32> to vector<1x64xf32>
    %add3A_48 = arith.addf %add3A_39, %broadcast_in_dim3A_47 : vector<1x64xf32>
    %slice3A_49 = vector.extract_strided_slice %convert_element_type3A_17 {offsets = [512, 0], sizes = [256, 64], strides = [1, 1]} : vector<2048x64xf32> to vector<256x64xf32>
    %dot_general3A_50 = arith.constant dense<0.000000e+00> : vector<256x64xf32>
    %dot_general3A_51 = tpu.matmul %convert_element_type3A_31, %slice3A_49, %dot_general3A_50 {dimension_numbers = #tpu.dot_dimension_numbers<[1], [0], [0], [1], [0, 0, 1, 1], [], []>, transpose_lhs_hint = false} : vector<256x256xf32>, vector<256x64xf32>, vector<256x64xf32> -> vector<256x64xf32>
    %add3A_52 = vector.broadcast %add3A_48 : vector<1x64xf32> to vector<256x64xf32>
    %add3A_53 = arith.addf %dot_general3A_51, %add3A_52 : vector<256x64xf32>
    %reduce_sum3A_54 = arith.constant dense<0.000000e+00> : vector<64xf32>
    %reduce_sum3A_55 = vector.multi_reduction <add>, %slice3A_49, %reduce_sum3A_54 [0] : vector<256x64xf32> to vector<64xf32>
    %broadcast_in_dim3A_56 = vector.shape_cast %reduce_sum3A_55 : vector<64xf32> to vector<1x64xf32>
    %add3A_57 = arith.addf %add3A_48, %broadcast_in_dim3A_56 : vector<1x64xf32>
    %slice3A_58 = vector.extract_strided_slice %convert_element_type3A_17 {offsets = [768, 0], sizes = [256, 64], strides = [1, 1]} : vector<2048x64xf32> to vector<256x64xf32>
    %dot_general3A_59 = arith.constant dense<0.000000e+00> : vector<256x64xf32>
    %dot_general3A_60 = tpu.matmul %convert_element_type3A_31, %slice3A_58, %dot_general3A_59 {dimension_numbers = #tpu.dot_dimension_numbers<[1], [0], [0], [1], [0, 0, 1, 1], [], []>, transpose_lhs_hint = false} : vector<256x256xf32>, vector<256x64xf32>, vector<256x64xf32> -> vector<256x64xf32>
    %add3A_61 = vector.broadcast %add3A_57 : vector<1x64xf32> to vector<256x64xf32>
    %add3A_62 = arith.addf %dot_general3A_60, %add3A_61 : vector<256x64xf32>
    %reduce_sum3A_63 = arith.constant dense<0.000000e+00> : vector<64xf32>
    %reduce_sum3A_64 = vector.multi_reduction <add>, %slice3A_58, %reduce_sum3A_63 [0] : vector<256x64xf32> to vector<64xf32>
    %broadcast_in_dim3A_65 = vector.shape_cast %reduce_sum3A_64 : vector<64xf32> to vector<1x64xf32>
    %add3A_66 = arith.addf %add3A_57, %broadcast_in_dim3A_65 : vector<1x64xf32>
    %slice3A_67 = vector.extract_strided_slice %convert_element_type3A_17 {offsets = [1024, 0], sizes = [256, 64], strides = [1, 1]} : vector<2048x64xf32> to vector<256x64xf32>
    %dot_general3A_68 = arith.constant dense<0.000000e+00> : vector<256x64xf32>
    %dot_general3A_69 = tpu.matmul %convert_element_type3A_31, %slice3A_67, %dot_general3A_68 {dimension_numbers = #tpu.dot_dimension_numbers<[1], [0], [0], [1], [0, 0, 1, 1], [], []>, transpose_lhs_hint = false} : vector<256x256xf32>, vector<256x64xf32>, vector<256x64xf32> -> vector<256x64xf32>
    %add3A_70 = vector.broadcast %add3A_66 : vector<1x64xf32> to vector<256x64xf32>
    %add3A_71 = arith.addf %dot_general3A_69, %add3A_70 : vector<256x64xf32>
    %reduce_sum3A_72 = arith.constant dense<0.000000e+00> : vector<64xf32>
    %reduce_sum3A_73 = vector.multi_reduction <add>, %slice3A_67, %reduce_sum3A_72 [0] : vector<256x64xf32> to vector<64xf32>
    %broadcast_in_dim3A_74 = vector.shape_cast %reduce_sum3A_73 : vector<64xf32> to vector<1x64xf32>
    %add3A_75 = arith.addf %add3A_66, %broadcast_in_dim3A_74 : vector<1x64xf32>
    %slice3A_76 = vector.extract_strided_slice %convert_element_type3A_17 {offsets = [1280, 0], sizes = [256, 64], strides = [1, 1]} : vector<2048x64xf32> to vector<256x64xf32>
    %dot_general3A_77 = arith.constant dense<0.000000e+00> : vector<256x64xf32>
    %dot_general3A_78 = tpu.matmul %convert_element_type3A_31, %slice3A_76, %dot_general3A_77 {dimension_numbers = #tpu.dot_dimension_numbers<[1], [0], [0], [1], [0, 0, 1, 1], [], []>, transpose_lhs_hint = false} : vector<256x256xf32>, vector<256x64xf32>, vector<256x64xf32> -> vector<256x64xf32>
    %add3A_79 = vector.broadcast %add3A_75 : vector<1x64xf32> to vector<256x64xf32>
    %add3A_80 = arith.addf %dot_general3A_78, %add3A_79 : vector<256x64xf32>
    %reduce_sum3A_81 = arith.constant dense<0.000000e+00> : vector<64xf32>
    %reduce_sum3A_82 = vector.multi_reduction <add>, %slice3A_76, %reduce_sum3A_81 [0] : vector<256x64xf32> to vector<64xf32>
    %broadcast_in_dim3A_83 = vector.shape_cast %reduce_sum3A_82 : vector<64xf32> to vector<1x64xf32>
    %add3A_84 = arith.addf %add3A_75, %broadcast_in_dim3A_83 : vector<1x64xf32>
    %slice3A_85 = vector.extract_strided_slice %convert_element_type3A_17 {offsets = [1536, 0], sizes = [256, 64], strides = [1, 1]} : vector<2048x64xf32> to vector<256x64xf32>
    %dot_general3A_86 = arith.constant dense<0.000000e+00> : vector<256x64xf32>
    %dot_general3A_87 = tpu.matmul %convert_element_type3A_31, %slice3A_85, %dot_general3A_86 {dimension_numbers = #tpu.dot_dimension_numbers<[1], [0], [0], [1], [0, 0, 1, 1], [], []>, transpose_lhs_hint = false} : vector<256x256xf32>, vector<256x64xf32>, vector<256x64xf32> -> vector<256x64xf32>
    %add3A_88 = vector.broadcast %add3A_84 : vector<1x64xf32> to vector<256x64xf32>
    %add3A_89 = arith.addf %dot_general3A_87, %add3A_88 : vector<256x64xf32>
    %reduce_sum3A_90 = arith.constant dense<0.000000e+00> : vector<64xf32>
    %reduce_sum3A_91 = vector.multi_reduction <add>, %slice3A_85, %reduce_sum3A_90 [0] : vector<256x64xf32> to vector<64xf32>
    %broadcast_in_dim3A_92 = vector.shape_cast %reduce_sum3A_91 : vector<64xf32> to vector<1x64xf32>
    %add3A_93 = arith.addf %add3A_84, %broadcast_in_dim3A_92 : vector<1x64xf32>
    %slice3A_94 = vector.extract_strided_slice %convert_element_type3A_17 {offsets = [1792, 0], sizes = [256, 64], strides = [1, 1]} : vector<2048x64xf32> to vector<256x64xf32>
    %dot_general3A_95 = arith.constant dense<0.000000e+00> : vector<256x64xf32>
    %dot_general3A_96 = tpu.matmul %convert_element_type3A_31, %slice3A_94, %dot_general3A_95 {dimension_numbers = #tpu.dot_dimension_numbers<[1], [0], [0], [1], [0, 0, 1, 1], [], []>, transpose_lhs_hint = false} : vector<256x256xf32>, vector<256x64xf32>, vector<256x64xf32> -> vector<256x64xf32>
    %add3A_97 = vector.broadcast %add3A_93 : vector<1x64xf32> to vector<256x64xf32>
    %add3A_98 = arith.addf %dot_general3A_96, %add3A_97 : vector<256x64xf32>
    %concatenate3A = tpu.concatenate %add3A_35, %add3A_44, %add3A_53, %add3A_62, %add3A_71, %add3A_80, %add3A_89, %add3A_98 in 0 : vector<256x64xf32>, vector<256x64xf32>, vector<256x64xf32>, vector<256x64xf32>, vector<256x64xf32>, vector<256x64xf32>, vector<256x64xf32>, vector<256x64xf32> -> vector<2048x64xf32>
    %add3A_99 = vector.broadcast %dot_general3A_25 : vector<1x64xf32> to vector<2048x64xf32>
    %add3A_100 = arith.addf %concatenate3A, %add3A_99 : vector<2048x64xf32>
    %mul3A = arith.mulf %convert_element_type3A_17, %add3A_100 : vector<2048x64xf32>
    %reduce_sum3A_101 = arith.constant dense<0.000000e+00> : vector<2048xf32>
    %reduce_sum3A_102 = vector.multi_reduction <add>, %mul3A, %reduce_sum3A_101 [1] : vector<2048x64xf32> to vector<2048xf32>
    %broadcast_in_dim3A_103 = vector.shape_cast %reduce_sum3A_102 : vector<2048xf32> to vector<2048x1xf32>
    %convert_element_type3A_104 = arith.fptosi %broadcast_in_dim3A_103 : vector<2048x1xf32> to vector<2048x1xi32>
    %reshape3A = vector.shape_cast %convert_element_type3A_104 : vector<2048x1xi32> to vector<16x128xi32>
    %swap3A = arith.constant 0 : index
    %swap3A_105 = arith.constant 0 : index
    %swap3A_106 = vector.load %arg3[%swap3A, %swap3A_105] : memref<16x128xi32, #tpu.memory_space<vmem>>, vector<16x128xi32>
    tpu.vector_store %arg3[%swap3A, %swap3A_105], %reshape3A {strides = array<i32>} : memref<16x128xi32, #tpu.memory_space<vmem>>, vector<16x128xi32>,
    %add3A_107 = arith.addf %dot_general3A_25, %broadcast_in_dim3A_19 : vector<1x64xf32>
    %gt3A_108 = arith.constant 0.000000e+00 : f32
    %gt3A_109 = vector.broadcast %gt3A_108 : f32 to vector<1x64xf32>
    %gt3A_110 = arith.cmpf ogt, %broadcast_in_dim3A_19, %gt3A_109 : vector<1x64xf32>
    %div3A = arith.constant 2.560000e+02 : f32
    %div3A_111 = vector.broadcast %div3A : f32 to vector<1x64xf32>
    %div3A_112 = arith.divf %dot_general3A_25, %div3A_111 : vector<1x64xf32>
    %floor3A = math.floor %div3A_112 : vector<1x64xf32>
    %sub3A = arith.constant 1.000000e+00 : f32
    %sub3A_113 = vector.broadcast %sub3A : f32 to vector<1x64xf32>
    %sub3A_114 = arith.subf %add3A_107, %sub3A_113 : vector<1x64xf32>
    %div3A_115 = arith.constant 2.560000e+02 : f32
    %div3A_116 = vector.broadcast %div3A_115 : f32 to vector<1x64xf32>
    %div3A_117 = arith.divf %sub3A_114, %div3A_116 : vector<1x64xf32>
    %floor3A_118 = math.floor %div3A_117 : vector<1x64xf32>
    %jit3A_119 = arith.constant 0.000000e+00 : f32
    %broadcast_in_dim3A_120 = vector.broadcast %jit3A_119 : f32 to vector<1x64xf32>
    %select_n3A_121 = arith.select %gt3A_110, %floor3A_118, %broadcast_in_dim3A_120 : vector<1x64xi1>, vector<1x64xf32>
    %sub3A_122 = arith.subf %select_n3A_121, %floor3A : vector<1x64xf32>
    %add3A_123 = arith.constant 1.000000e+00 : f32
    %add3A_124 = vector.broadcast %add3A_123 : f32 to vector<1x64xf32>
    %add3A_125 = arith.addf %sub3A_122, %add3A_124 : vector<1x64xf32>
    %jit3A_126 = arith.constant 0.000000e+00 : f32
    %broadcast_in_dim3A_127 = vector.broadcast %jit3A_126 : f32 to vector<1x64xf32>
    %select_n3A_128 = arith.select %gt3A_110, %add3A_125, %broadcast_in_dim3A_127 : vector<1x64xi1>, vector<1x64xf32>
    %le3A = arith.cmpi sle, %iota3A_20, %iota3A_21 : vector<64x64xi32>
    %convert_element_type3A_129 = arith.extui %le3A : vector<64x64xi1> to vector<64x64xi32>
    %convert_element_type3A_130 = arith.sitofp %convert_element_type3A_129 : vector<64x64xi32> to vector<64x64xf32>
    %dot_general3A_131 = arith.constant dense<0.000000e+00> : vector<1x64xf32>
    %dot_general3A_132 = tpu.matmul %select_n3A_128, %convert_element_type3A_130, %dot_general3A_131 {dimension_numbers = #tpu.dot_dimension_numbers<[1], [0], [0], [1], [0, 0, 1, 1], [], []>, transpose_lhs_hint = false} : vector<1x64xf32>, vector<64x64xf32>, vector<1x64xf32> -> vector<1x64xf32>
    %reduce_max3A_133 = vector.shape_cast %dot_general3A_132 : vector<1x64xf32> to vector<1x1x64xf32>
    %reduce_max3A_134 = arith.constant dense<0xFF800000> : vector<1xf32>
    %reduce_max3A_135 = vector.multi_reduction <maximumf>, %reduce_max3A_133, %reduce_max3A_134 [1, 2] : vector<1x1x64xf32> to vector<1xf32>
    %reduce_max3A_136 = vector.shape_cast %reduce_max3A_135 : vector<1xf32> to vector<1x1x1xf32>
    %reduce_max3A_137 = vector.extract %reduce_max3A_136[0, 0, 0] : f32 from vector<1x1x1xf32>
    %iota3A_138 = tpu.iota {dimensions = array<i32: 0>} : vector<72x1xi32>
    %convert_element_type3A_139 = arith.sitofp %iota3A_138 : vector<72x1xi32> to vector<72x1xf32>
    %le3A_140 = vector.broadcast %dot_general3A_132 : vector<1x64xf32> to vector<72x64xf32>
    %le3A_141 = vector.broadcast %convert_element_type3A_139 : vector<72x1xf32> to vector<72x64xf32>
    %le3A_142 = arith.cmpf ole, %le3A_140, %le3A_141 : vector<72x64xf32>
    %convert_element_type3A_143 = arith.extui %le3A_142 : vector<72x64xi1> to vector<72x64xi32>
    %convert_element_type3A_144 = arith.sitofp %convert_element_type3A_143 : vector<72x64xi32> to vector<72x64xf32>
    %reduce_sum3A_145 = arith.constant dense<0.000000e+00> : vector<72xf32>
    %reduce_sum3A_146 = vector.multi_reduction <add>, %convert_element_type3A_144, %reduce_sum3A_145 [1] : vector<72x64xf32> to vector<72xf32>
    %broadcast_in_dim3A_147 = vector.shape_cast %reduce_sum3A_146 : vector<72xf32> to vector<72x1xf32>
    %lt3A_148 = vector.broadcast %reduce_max3A_137 : f32 to vector<72x1xf32>
    %lt3A_149 = arith.cmpf olt, %convert_element_type3A_139, %lt3A_148 : vector<72x1xf32>
    %sub3A_150 = arith.constant 1.000000e+00 : f32
    %sub3A_151 = arith.subf %reduce_max3A_137, %sub3A_150 : f32
    %le3A_152 = vector.broadcast %sub3A_151 : f32 to vector<1x64xf32>
    %le3A_153 = arith.cmpf ole, %dot_general3A_132, %le3A_152 : vector<1x64xf32>
    %convert_element_type3A_154 = arith.extui %le3A_153 : vector<1x64xi1> to vector<1x64xi32>
    %convert_element_type3A_155 = arith.sitofp %convert_element_type3A_154 : vector<1x64xi32> to vector<1x64xf32>
    %reduce_sum3A_156 = vector.shape_cast %convert_element_type3A_155 : vector<1x64xf32> to vector<1x1x64xf32>
    %reduce_sum3A_157 = arith.constant dense<0.000000e+00> : vector<1xf32>
    %reduce_sum3A_158 = vector.multi_reduction <add>, %reduce_sum3A_156, %reduce_sum3A_157 [1, 2] : vector<1x1x64xf32> to vector<1xf32>
    %reduce_sum3A_159 = vector.shape_cast %reduce_sum3A_158 : vector<1xf32> to vector<1x1x1xf32>
    %reduce_sum3A_160 = vector.extract %reduce_sum3A_159[0, 0, 0] : f32 from vector<1x1x1xf32>
    %broadcast_in_dim3A_161 = vector.broadcast %reduce_sum3A_160 : f32 to vector<72x1xf32>
    %select_n3A_162 = arith.select %lt3A_149, %broadcast_in_dim3A_147, %broadcast_in_dim3A_161 : vector<72x1xi1>, vector<72x1xf32>
    %iota3A_163 = tpu.iota {dimensions = array<i32: 1>} : vector<72x64xi32>
    %convert_element_type3A_164 = arith.sitofp %iota3A_163 : vector<72x64xi32> to vector<72x64xf32>
    %eq3A_165 = vector.broadcast %select_n3A_162 : vector<72x1xf32> to vector<72x64xf32>
    %eq3A_166 = arith.cmpf oeq, %convert_element_type3A_164, %eq3A_165 : vector<72x64xf32>
    %convert_element_type3A_167 = arith.extui %eq3A_166 : vector<72x64xi1> to vector<72x64xi32>
    %convert_element_type3A_168 = arith.sitofp %convert_element_type3A_167 : vector<72x64xi32> to vector<72x64xf32>
    %sub3A_169 = arith.subf %dot_general3A_132, %select_n3A_128 : vector<1x64xf32>
    %dot_general3A_170 = arith.constant dense<0.000000e+00> : vector<72x1xf32>
    %dot_general3A_171 = tpu.matmul %convert_element_type3A_168, %sub3A_169, %dot_general3A_170 {dimension_numbers = #tpu.dot_dimension_numbers<[1], [1], [0], [0], [0, 0, 1, 0], [], []>, transpose_lhs_hint = false} : vector<72x64xf32>, vector<1x64xf32>, vector<72x1xf32> -> vector<72x1xf32>
    %dot_general3A_172 = arith.constant dense<0.000000e+00> : vector<72x1xf32>
    %dot_general3A_173 = tpu.matmul %convert_element_type3A_168, %floor3A, %dot_general3A_172 {dimension_numbers = #tpu.dot_dimension_numbers<[1], [1], [0], [0], [0, 0, 1, 0], [], []>, transpose_lhs_hint = false} : vector<72x64xf32>, vector<1x64xf32>, vector<72x1xf32> -> vector<72x1xf32>
    %sub3A_174 = arith.subf %convert_element_type3A_139, %dot_general3A_171 : vector<72x1xf32>
    %add3A_175 = arith.addf %dot_general3A_173, %sub3A_174 : vector<72x1xf32>
    %jit3A_176 = arith.constant 7.000000e+00 : f32
    %broadcast_in_dim3A_177 = vector.broadcast %jit3A_176 : f32 to vector<72x1xf32>
    %select_n3A_178 = arith.select %lt3A_149, %add3A_175, %broadcast_in_dim3A_177 : vector<72x1xi1>, vector<72x1xf32>
    %convert_element_type3A_179 = arith.fptosi %select_n3A_162 : vector<72x1xf32> to vector<72x1xi32>
    %swap3A_180 = arith.constant 0 : index
    %swap3A_181 = arith.constant 0 : index
    %swap3A_182 = vector.load %arg4[%swap3A_180, %swap3A_181] : memref<72x1xi32, #tpu.memory_space<vmem>>, vector<72x1xi32>
    tpu.vector_store %arg4[%swap3A_180, %swap3A_181], %convert_element_type3A_179 {strides = array<i32>} : memref<72x1xi32, #tpu.memory_space<vmem>>, vector<72x1xi32>,
    %convert_element_type3A_183 = arith.fptosi %select_n3A_178 : vector<72x1xf32> to vector<72x1xi32>
    %swap3A_184 = arith.constant 0 : index
    %swap3A_185 = arith.constant 0 : index
    %swap3A_186 = vector.load %arg5[%swap3A_184, %swap3A_185] : memref<72x1xi32, #tpu.memory_space<vmem>>, vector<72x1xi32>
    tpu.vector_store %arg5[%swap3A_184, %swap3A_185], %convert_element_type3A_183 {strides = array<i32>} : memref<72x1xi32, #tpu.memory_space<vmem>>, vector<72x1xi32>,
    %dot_general3A_187 = arith.constant dense<0.000000e+00> : vector<72x1xf32>
    %dot_general3A_188 = tpu.matmul %convert_element_type3A_168, %dot_general3A_25, %dot_general3A_187 {dimension_numbers = #tpu.dot_dimension_numbers<[1], [1], [0], [0], [0, 0, 1, 0], [], []>, transpose_lhs_hint = false} : vector<72x64xf32>, vector<1x64xf32>, vector<72x1xf32> -> vector<72x1xf32>
    %jit3A_189 = arith.constant 0.000000e+00 : f32
    %broadcast_in_dim3A_190 = vector.broadcast %jit3A_189 : f32 to vector<72x1xf32>
    %select_n3A_191 = arith.select %lt3A_149, %dot_general3A_188, %broadcast_in_dim3A_190 : vector<72x1xi1>, vector<72x1xf32>
    %convert_element_type3A_192 = arith.fptosi %select_n3A_191 : vector<72x1xf32> to vector<72x1xi32>
    %swap3A_193 = arith.constant 0 : index
    %swap3A_194 = arith.constant 0 : index
    %swap3A_195 = vector.load %arg6[%swap3A_193, %swap3A_194] : memref<72x1xi32, #tpu.memory_space<vmem>>, vector<72x1xi32>
    tpu.vector_store %arg6[%swap3A_193, %swap3A_194], %convert_element_type3A_192 {strides = array<i32>} : memref<72x1xi32, #tpu.memory_space<vmem>>, vector<72x1xi32>,
    %dot_general3A_196 = arith.constant dense<0.000000e+00> : vector<72x1xf32>
    %dot_general3A_197 = tpu.matmul %convert_element_type3A_168, %add3A_107, %dot_general3A_196 {dimension_numbers = #tpu.dot_dimension_numbers<[1], [1], [0], [0], [0, 0, 1, 0], [], []>, transpose_lhs_hint = false} : vector<72x64xf32>, vector<1x64xf32>, vector<72x1xf32> -> vector<72x1xf32>
    %jit3A_198 = arith.constant 0.000000e+00 : f32
    %broadcast_in_dim3A_199 = vector.broadcast %jit3A_198 : f32 to vector<72x1xf32>
    %select_n3A_200 = arith.select %lt3A_149, %dot_general3A_197, %broadcast_in_dim3A_199 : vector<72x1xi1>, vector<72x1xf32>
    %convert_element_type3A_201 = arith.fptosi %select_n3A_200 : vector<72x1xf32> to vector<72x1xi32>
    %swap3A_202 = arith.constant 0 : index
    %swap3A_203 = arith.constant 0 : index
    %swap3A_204 = vector.load %arg7[%swap3A_202, %swap3A_203] : memref<72x1xi32, #tpu.memory_space<vmem>>, vector<72x1xi32>
    tpu.vector_store %arg7[%swap3A_202, %swap3A_203], %convert_element_type3A_201 {strides = array<i32>} : memref<72x1xi32, #tpu.memory_space<vmem>>, vector<72x1xi32>,
    return
  }
}

</mosaic_0001>

<sc_bundles>
// kernel: kernel.6.cloned.1.call-start
scs
__scs_entry_jumppad:
0x0: {  	(pc) =	sbr.rel $0x88, $3  }
0x1: {  	(tag) =	ssettag $0x0;
	lr =	simm.s32 $0x1  }
0x2: {  	[smem:$0x3F9C] =	sst lr;
	_ =	strace $0xD0000000  }
0x3: {  	_ = 	snop  }
0x4: {  	_ = 	snop  }
0x5: {  	_ = 	snop  }
0x6: {  	_ = 	snop  }
0x7: {  	_ = 	snop  }
__scs_overlays_trampoline_lowered:
0x8: {  	[smem:$0x3FAB] =	sst s0  }
0x9: {  	[smem:$0x3FAC] =	sst s1  }
0xa: {  	[smem:$0x3FAD] =	sst s2  }
0xb: {  	[smem:$0x3FAE] =	sst s3  }
0xc: {  	[smem:$0x3FAF] =	sst s4  }
0xd: {  	[smem:$0x3FB0] =	sst s5  }
0xe: {  	[smem:$0x3FB1] =	sst s6  }
0xf: {  	[smem:$0x3FB2] =	sst s7  }
0x10: {  	[smem:$0x3FB3] =	sst s8  }
0x11: {  	[smem:$0x3FB4] =	sst s9;
	s0 =	simm.s32 @!p0 $0x0  }
0x12: {  	s1 =	sld [smem:$0x3F9A];
	s0 =	simm.s32 @p0 $0x1  }
0x13: {  	[smem:$0x3FB5] =	sst s0;
	s0 =	simm.s32 @!p1 $0x0  }
0x14: {  	s2 =	sld [smem:$0x3F99];
	s0 =	simm.s32 @p1 $0x1  }
0x15: {  	[smem:$0x3FB6] =	sst s0;
	s0 =	simm.s32 @!p2 $0x0  }
0x16: {  	s3 =	sld [smem:$0x3FDB];
	s0 =	simm.s32 @p2 $0x1  }
0x17: {  	s4 =	simm.s32 $0x1BF5;
	[smem:$0x3FB8] =	sst s0  }
0x18: {  	s0 =	sld [smem:$0x3F9B];
	_ =	swait.ge [sflag:s4], $0x0  }
0x19: {  	s7 =	sld [smem:$0x3F9C]  }
0x1a: {  	s8 =	sadd.s32 $0xFFFFE003, lr  }
0x1b: {  	s9 =	sadd.s32 $0xFFFFFEF7, lr;
	s5 =	simm.s32 $0xFFFFFFFF;
	p2 =	slt.u32 s8, $0xFFFFF086  }
0x1c: {  	p1 =	slt.u32 s9, $0xF7A;
	s5 =	simm.s32 @!p2 $0x0  }
0x1d: {  	s5 =	simm.s32 @p1 $0x1;
	p0 =	seq.s32 s7, s2  }
0x1e: {  	s7 =	smul.u32 @!p0 $0xF7A, s2;
	p2 =	seq.s32 @!p0 s5, $0x0  }
0x1f: {  	s9 =	smul.u32 $0xF7A, s1;
	s8 =	simm.s32 @!p0 $0x1BF5;
	p2 =	por !p2, p0  }
0x20: {  	[sflag:s8] =	ssyncset.s32 @!p0 $0xFFFFF086;
	s6 =	sadd.s32 @!p0 s3, s7;
	s7 =	simm.s32 @!p0 $0x108  }
0x21: {  	s3 =	sadd.s32 s3, s9;
	s6 =	sadd.s32 @!p0 $0x88, s6;
	s7 =	simm.s32 @p2 $0x1082  }
0x22: {  	[simem:s7], [sflag:s8] =	dma.local @!p0 [hbm:s6], $0xF7A  }
0x23: {  	s9 =	sor.u32 $0xD0000000, s2;
	s6 =	simm.s32 $0x108;
	_ =	swait.ge @!p0 [sflag:s8], $0x0  }
0x24: {  	s3 =	sadd.s32 $0x88, s3;
	s6 =	simm.s32 @!p1 $0x1082;
	[sflag:s4] =	ssyncset.s32 $0xFFFFF086  }
0x25: {  	[simem:s6], [sflag:s4] =	dma.local [hbm:s3], $0xF7A  }
0x26: {  	[smem:$0x3F9C] =	sst s1;
	(tag) =	ssettag s2;
	_ =	strace s9  }
0x27: {  	s1 =	sld [smem:$0x3FAC]  }
0x28: {  	s2 =	sld [smem:$0x3FAD]  }
0x29: {  	s4 =	sld [smem:$0x3FAF]  }
0x2a: {  	p0 =	seq.s32 s5, $0x0;
	s5 =	sld [smem:$0x3FB0]  }
0x2b: {  	s6 =	sld [smem:$0x3FB1]  }
0x2c: {  	s7 =	sld [smem:$0x3FB2]  }
0x2d: {  	s3 =	simm.s32 $0x108;
	s8 =	sld [smem:$0x3FB3]  }
0x2e: {  	s3 =	simm.s32 @!p0 $0x1082;
	s9 =	sld [smem:$0x3FB4]  }
0x2f: {  	lr =	sadd.s32 s0, s3;
	s0 =	sld [smem:$0x3FAB]  }
0x30: {  	s3 =	sld [smem:$0x3FAE]  }
0x31: {  	[smem:$0x3FB7] =	sst s10  }
0x32: {  	s10 =	sld [smem:$0x3FB5];
	_ =	sdelay $0x3  }
0x33: {  	p0 =	seq.s32 s10, $0x1;
	s10 =	sld [smem:$0x3FB7];
	_ =	sdelay $0x3  }
0x34: {  	[smem:$0x3FB7] =	sst s10  }
0x35: {  	s10 =	sld [smem:$0x3FB6];
	_ =	sdelay $0x3  }
0x36: {  	p1 =	seq.s32 s10, $0x1;
	s10 =	sld [smem:$0x3FB7];
	_ =	sdelay $0x3  }
0x37: {  	[smem:$0x3FB7] =	sst s10  }
0x38: {  	s10 =	sld [smem:$0x3FB8]  }
0x39: {  	_ = 	snop;
	(pc) =	sbr.ind lr, $3  }
0x3a: {  	_ = 	snop  }
0x3b: {  	_ = 	snop  }
0x3c: {  	p2 =	seq.s32 s10, $0x1;
	s10 =	sld [smem:$0x3FB7]  }
0x3d: {  	_ =	shalt  }
0x3e: {  	_ =	shalt  }
0x3f: {  	_ =	shalt  }
0x40: {  	_ =	shalt  }
0x41: {  	_ =	shalt  }
0x42: {  	_ =	shalt  }
0x43: {  	_ =	shalt  }
0x44: {  	_ =	shalt  }
0x45: {  	_ =	shalt  }
0x46: {  	_ =	shalt  }
0x47: {  	_ =	shalt  }
0x48: {  	_ =	shalt  }
0x49: {  	_ =	shalt  }
0x4a: {  	_ =	shalt  }
0x4b: {  	_ =	shalt  }
0x4c: {  	_ =	shalt  }
0x4d: {  	_ =	shalt  }
0x4e: {  	_ =	shalt  }
0x4f: {  	_ =	shalt  }
0x50: {  	_ =	shalt  }
0x51: {  	_ =	shalt  }
0x52: {  	_ =	shalt  }
0x53: {  	_ =	shalt  }
0x54: {  	_ =	shalt  }
0x55: {  	_ =	shalt  }
0x56: {  	_ =	shalt  }
0x57: {  	_ =	shalt  }
0x58: {  	_ =	shalt  }
0x59: {  	_ =	shalt  }
0x5a: {  	_ =	shalt  }
0x5b: {  	_ =	shalt  }
0x5c: {  	_ =	shalt  }
0x5d: {  	_ =	shalt  }
0x5e: {  	_ =	shalt  }
0x5f: {  	_ =	shalt  }
0x60: {  	_ =	shalt  }
0x61: {  	_ =	shalt  }
0x62: {  	_ =	shalt  }
0x63: {  	_ =	shalt  }
0x64: {  	_ =	shalt  }
0x65: {  	_ =	shalt  }
0x66: {  	_ =	shalt  }
0x67: {  	_ =	shalt  }
0x68: {  	_ =	shalt  }
0x69: {  	_ =	shalt  }
0x6a: {  	_ =	shalt  }
0x6b: {  	_ =	shalt  }
0x6c: {  	_ =	shalt  }
0x6d: {  	_ =	shalt  }
0x6e: {  	_ =	shalt  }
0x6f: {  	_ =	shalt  }
0x70: {  	_ =	shalt  }
0x71: {  	_ =	shalt  }
0x72: {  	_ =	shalt  }
0x73: {  	_ =	shalt  }
0x74: {  	_ =	shalt  }
0x75: {  	_ =	shalt  }
0x76: {  	_ =	shalt  }
0x77: {  	_ =	shalt  }
0x78: {  	_ =	shalt  }
0x79: {  	_ =	shalt  }
0x7a: {  	_ =	shalt  }
0x7b: {  	_ =	shalt  }
0x7c: {  	_ =	shalt  }
0x7d: {  	_ =	shalt  }
0x7e: {  	_ =	shalt  }
0x7f: {  	_ =	shalt  }
0x80: {  	_ =	shalt  }
0x81: {  	_ =	shalt  }
0x82: {  	_ =	shalt  }
0x83: {  	_ =	shalt  }
0x84: {  	_ =	shalt  }
0x85: {  	_ =	shalt  }
0x86: {  	_ =	shalt  }
0x87: {  	_ =	shalt  }
.Lfunc_end0:
.L_simem_size_0:
called_computation_lowered:
.L_overlay_start_0:
0x88: {  	s2 =	sld [smem:$0x3FD9]  }
0x89: {  	s3 =	sld [smem:$0x3FFE];
	_ =	sdelay $0x1  }
0x8a: {  	s1 =	srdreg.scid  }
0x8b: {  	s0 =	sand.u32 $0x1, s1  }
0x8c: {  	s17 =	sshll.u32 s0, $0xA;
	s2 =	sadd.s32 s3, s2  }
0x8d: {  	s2 =	sadd.s32 s2, s17  }
0x8e: {  	[smem:$0x3FC3] =	sst s2  }
0x8f: {  	_ = 	snop  }
0x90: {  	s2 =	sld [smem:$0x3FC9]  }
0x91: {  	s18 =	sld [smem:$0x3FD0];
	(tm) =	ssettm $0x1  }
0x92: {  	s4 =	sld [smem:$0x3FFB];
	_ =	sdelay $0x3  }
0x93: {  	_ =	strace s4  }
0x94: {  	s4 =	sld [smem:$0x3FFC];
	_ =	sdelay $0x3  }
0x95: {  	_ =	strace s4  }
0x96: {  	s4 =	sld [smem:$0x3FFD];
	_ =	sdelay $0x3  }
0x97: {  	_ =	strace s4  }
0x98: {  	_ =	strace $0x8FFFFFFF  }
0x99: {  	s19 =	sld [smem:$0x3FDB];
	_ =	sdelay $0x1  }
0x9a: {  	s5 =	simm.s32 $_scs_section_size  }
0x9b: {  	s6 =	simm.s32 $_size__tile_overlayer_lowered;
	s7 =	simm.s32 $_tile_overlayer_lowered  }
0x9c: {  	s22 =	simm.s32 $0x1BFF;
	s21 =	sshll.u32 s7, $0x1;
	s4 =	sadd.s32 s5, s19  }
0x9d: {  	s8 =	simm.s32 $0x0;
	s20 =	sshll.u32 s6, $0x1;
	s6 =	sadd.s32 s21, s4  }
0x9e: {  	[timem:s8], [sflag:s22] =	dma.local [hbm:s6], s20  }
0x9f: {  	_ =	swait.ge [sflag:s22], s20  }
0xa0: {  	s5 =	ssub.s32 $0x0, s20;
	[sflag:s22] =	ssyncset.done $0x0  }
0xa1: {  	[sflag:s22] =	ssyncadd.s32 s5;
	_ =	sdelay $0x1  }
0xa2: {  	s23 =	simm.s32 $0x1B8B  }
0xa3: {  	_ =	swait.ge [sflag:s23], $0x1  }
0xa4: {  	[sflag:s23] =	ssyncset.done $0x0  }
0xa5: {  	s25 =	simm.s32 $0x1B8E;
	s24 =	sld [smem:$0x3FFE];
	[sflag:s23] =	ssyncadd.s32 $0xFFFFFFFF  }
0xa6: {  	s26 =	simm.s32 $execute0_lowered;
	[smem:$0x3FD2] =	sst s25  }
0xa7: {  	s6 =	sshll.u32 s26, $0x1;
	_ =	strace $0x80000046;
	[dreg:$0x1] =	wrdreg $0xFFFFFFFF  }
0xa8: {  	s28 =	simm.s32 $_size_execute0_lowered;
	s4 =	sadd.s32 s4, s6;
	[dreg:$0x0] =	wrdreg $0x0  }
0xa9: {  	s6 =	sshll.u32 s28, $0x1;
	[dreg:$0x2] =	wrdreg s4  }
0xaa: {  	[dreg:$0x3] =	wrdreg s6  }
0xab: {  	[dreg:$0x4] =	wrdreg $0xC0  }
0xac: {  	_ =	task [dreg:s8], $0x5FFFF  }
0xad: {  	[dreg:$0x1] =	wrdreg $0xFFFFFFFF  }
0xae: {  	[dreg:$0x0] =	wrdreg $0x60  }
0xaf: {  	[dreg:$0x2] =	wrdreg s2  }
0xb0: {  	[dreg:$0x3] =	wrdreg s24  }
0xb1: {  	[dreg:$0x4] =	wrdreg s18  }
0xb2: {  	[dreg:$0x5] =	wrdreg $0x9  }
0xb3: {  	_ =	task.clear_ibuf [dreg:s8], $0x6FFFF;
	_ =	strace $0x90000046  }
0xb4: {  	s29 =	simm.s32 $0x9;
	_ =	strace $0x80000048  }
0xb5: {  	_ =	swait.ge [sflag:s29], $0x1  }
0xb6: {  	[sflag:s29] =	ssyncadd.s32 $0xFFFFFFFF  }
0xb7: {  	_ =	strace $0x90000048  }
0xb8: {  	_ =	sfence  }
0xb9: {  	s30 =	sld [smem:$0x0];
	_ =	sdelay $0x2  }
0xba: {  	s31 =	sshll.u32 s1, $0xD;
	s1 =	sshrl.u32 s1, $0x2  }
0xbb: {  	s3 =	sand.u32 $0x4000, s31;
	s1 =	sadd.s32 s1, s30  }
0xbc: {  	s0 =	sor.u32 s3, s0;
	s1 =	sshll.u32 s1, $0x11  }
0xbd: {  	s0 =	sor.u32 s1, s0  }
0xbe: {  	s0 =	sadd.s32 $0x8F2B, s0  }
0xbf: {  	[sflag:s0] =	ssyncadd.remote.s32 $0x1  }
0xc0: {  	_ =	sfence.sel $0xFFFF  }
0xc1: {  	[dreg:$0x0] =	wrdreg $0xFFFFFFFF;
	(pc) =	sbr.abs _section_cstart, $3  }
0xc2: {  	[dreg:$0x1] =	wrdreg $0xFFFFFFFF  }
0xc3: {  	_ =	task.clear_ibuf [dreg:s8], $0x2FFFF;
	_ =	strace $0x9FFFFFFF  }
0xc4: {  	(tm) =	ssettm $0x7FFFFFFF  }
0xc5: {  	_ =	shalt  }
tec
execute0_lowered:
.L_overlay_start_1:
0x0: {  	(tag) =	ssettag $0x1  }
0x1: {  	s1 =	srdreg.scid;
	s5 =	rddreg [dreg:$0x0]  }
0x2: {  	s0 =	stileid.u32;
	s6 =	rddreg [dreg:$0x1]  }
0x3: {  	s7 =	simm.s32 $0x1;
	s3 =	simm.s32 $0x0;
	s23 =	simm.s32 $0x80  }
0x4: {  	s24 =	simm.s32 $0x900;
	s25 =	simm.s32 $0x1100;
	s26 =	simm.s32 $0x1900  }
0x5: {  	s10 =	simm.s32 $0x4;
	s12 =	simm.s32 $0x2900;
	s13 =	simm.s32 $0x3100  }
0x6: {  	s14 =	simm.s32 $0x3900;
	s15 =	simm.s32 $0x4100;
	s16 =	simm.s32 $0x4900  }
0x7: {  	s1 =	sand.u32 $0x1, s1;
	s2 =	sshll.u32 s0, $0x1;
	[smem:$0x7FF] =	sst s3  }
0x8: {  	s17 =	simm.s32 $0x5100;
	s4 =	sor.u32 s1, s2;
	s2 =	rddreg [dreg:$0x2]  }
0x9: {  	s28 =	simm.s32 $0xA100;
	_ =	strace $0x80000047;
	[dreg:$0x8] =	wrdreg s23  }
0xa: {  	s29 =	simm.s32 $0xA900;
	s30 =	simm.s32 $0xB100;
	[dreg:$0x9] =	wrdreg s24  }
0xb: {  	s31 =	simm.s32 $0xB900;
	p1 =	seq.s32 s1, $0x1;
	[dreg:$0xa] =	wrdreg s25  }
0xc: {  	s8 =	sshll.u32 s1, $0x6;
	s1 =	ssub.s32 $0x2, s1;
	[dreg:$0xb] =	wrdreg s26  }
0xd: {  	s23 =	simm.s32 $0x8100;
	s24 =	simm.s32 $0x8900;
	s25 =	simm.s32 $0x9100  }
0xe: {  	s26 =	simm.s32 $0x9900;
	p0 =	seq.s32 s4, $0x0;
	s9 =	smul.u32 $0xC000, s4  }
0xf: {  	s18 =	smul.u32 $0x1800, s4;
	s20 =	sshrl.u32 s1, $0x1;
	p0 =	por !p0, !p1  }
0x10: {  	s4 =	simm.s32 $0x1;
	s1 =	ssub.s32 s1, s20;
	p0 =	por !p0, !p0  }
0x11: {  	s20 =	simm.s32 $0x6900;
	s9 =	sshrl.u32 s9, $0x3;
	s7 =	simm.s32 @!p0 $0x0  }
0x12: {  	s19 =	sadd.s32 s5, s18;
	s18 =	simm.s32 $0x5900;
	s7 =	ssub.s32 s0, s7  }
0x13: {  	s5 =	sadd.s32 s5, s9;
	[dreg:$0x4] =	wrdreg s19;
	s7 =	sshll.u32 s7, $0x7  }
0x14: {  	s9 =	simm.s32 $0x6100;
	s5 =	sadd.s32 $0xC00, s5;
	s7 =	sor.u32 s8, s7  }
0x15: {  	s19 =	simm.s32 $0x2;
	[dreg:$0x5] =	wrdreg s5;
	s7 =	sshrl.u32 s7, $0x3  }
0x16: {  	s5 =	sadd.s32 $0x100, s2;
	s8 =	simm.s32 $0x100;
	s6 =	sadd.s32 s7, s6  }
0x17: {  	v2 =	vlaneseq.u32;
	s7 =	smax.u32 s1, $0x1;
	s1 =	simm.s32 $0x3;
	s21 =	sadd.s32 $0x1800, s6  }
0x18: {  	vm0 =	vmmov $0xffff;
	v1 =	vshrl.u32 v2, $0x3;
	s22 =	sadd.s32 $0x1804, s6;
	s6 =	sadd.s32 $0x200, s2;
	[dreg:$0x6] =	wrdreg s21  }
0x19: {  	v0 =	vand.u32 $0x7, v2;
	v2 =	vor.u32 $0x8, v2;
	v1 =	vmul.u32 $0x8, v1;
	[dreg:$0x7] =	wrdreg s22;
	s21 =	simm.s32 $0x7100;
	s22 =	simm.s32 $0x7900  }
.LBB2_1:
0x1a: {  	s0 =	rddreg [dreg:$0x4]  }
0x1b: {  	[tilespmem:s8], [sflag:$0x1] =	stream.linear.gather [hbm4b:s0+s3], $0x6000, $0x38;
	[tilespmem:$0xC100] =	vst v63  }
0x1c: {  	s11 =	rddreg [dreg:$0x5]  }
0x1d: {  	[tilespmem:s9], [sflag:$0x2] =	stream.linear.gather [hbm4b:s11+s3], $0x6000, $0x38;
	[tilespmem:$0xC100] =	vst v63  }
0x1e: {  	s0 =	rddreg [dreg:$0x6]  }
0x1f: {  	[tilespmem:s3], [sflag:$0x4] =	stream.linear.gather [hbm4b:s0+s3], $0x20, $0x38;
	[tilespmem:$0xC100] =	vst v63  }
0x20: {  	_ =	swait.ge [sflag:s10], $0x20  }
0x21: {  	s0 =	rddreg [dreg:$0x7];
	[sflag:s10] =	ssyncset.done $0x0  }
0x22: {  	s11 =	rddreg [dreg:$0x8];
	[sflag:s10] =	ssyncadd.s32 $0xFFFFFFE0  }
0x23: {  	[tilespmem:s11], [sflag:$0x4] =	stream.linear.gather [hbm4b:s0+s3], $0x20, $0x38;
	[tilespmem:$0xC100] =	vst v63  }
0x24: {  	_ =	swait.ge [sflag:s10], $0x20  }
0x25: {  	[sflag:s10] =	ssyncset.done $0x0  }
0x26: {  	[sflag:s10] =	ssyncadd.s32 $0xFFFFFFE0  }
0x27: {  	_ =	swait.ge [sflag:s4], $0x6000  }
0x28: {  	[sflag:s4] =	ssyncset.done $0x0  }
0x29: {  	[sflag:s4] =	ssyncadd.s32 $0xFFFFA000  }
0x2a: {  	v3 =	vld [tilespmem:$0x0];
	_ =	sdelay $0x4  }
0x2b: {  	v4 =	vshrl.u32 v3, $0x3  }
0x2c: {  	v4 =	vmul.u32 $0x30, v4  }
0x2d: {  	v3 =	vand.u32 $0x7, v3  }
0x2e: {  	v3 =	vor.u32 v3, v4  }
0x2f: {  	v4 =	vperm.xlane v3, v0;
	_ =	sdelay $0x1  }
0x30: {  	v4 =	vadd.s32 v1, v4;
	_ =	sdelay $0x3  }
0x31: {  	v3 =	vperm.xlane v3, v2  }
0x32: {  	[hbm4b:s2+s3] =	stream.indirect_vreg.scatter [tilespmem:s8], [sflag:$0x3], $0x80, v4, vm0, $0xb8;
	[tilespmem:$0xC100] =	vst v63  }
0x33: {  	s0 =	rddreg [dreg:$0x9];
	v3 =	vadd.s32 v1, v3  }
0x34: {  	[hbm4b:s5+s3] =	stream.indirect_vreg.scatter [tilespmem:s0], [sflag:$0x3], $0x80, v4, vm0, $0xb8;
	[tilespmem:$0xC100] =	vst v63  }
0x35: {  	s11 =	rddreg [dreg:$0xa]  }
0x36: {  	[hbm4b:s6+s3] =	stream.indirect_vreg.scatter [tilespmem:s11], [sflag:$0x3], $0x80, v4, vm0, $0xb8;
	[tilespmem:$0xC100] =	vst v63  }
0x37: {  	s0 =	rddreg [dreg:$0xb]  }
0x38: {  	[hbm4b:s2+s3] =	stream.indirect_vreg.scatter [tilespmem:s0], [sflag:$0x3], $0x80, v3, vm0, $0xb8;
	[tilespmem:$0xC100] =	vst v63  }
0x39: {  	s11 =	simm.s32 $0x2100  }
0x3a: {  	[hbm4b:s5+s3] =	stream.indirect_vreg.scatter [tilespmem:s11], [sflag:$0x3], $0x80, v3, vm0, $0xb8;
	[tilespmem:$0xC100] =	vst v63  }
0x3b: {  	_ = 	snop  }
0x3c: {  	[hbm4b:s6+s3] =	stream.indirect_vreg.scatter [tilespmem:s12], [sflag:$0x3], $0x80, v3, vm0, $0xb8;
	[tilespmem:$0xC100] =	vst v63  }
0x3d: {  	v3 =	vld [tilespmem:$0x10];
	_ =	sdelay $0x4  }
0x3e: {  	v61 =	vshrl.u32 v3, $0x3  }
0x3f: {  	v4 =	vmul.u32 $0x30, v61  }
0x40: {  	v3 =	vand.u32 $0x7, v3  }
0x41: {  	v3 =	vor.u32 v3, v4  }
0x42: {  	v4 =	vperm.xlane v3, v0;
	_ =	sdelay $0x1  }
0x43: {  	v4 =	vadd.s32 v1, v4;
	_ =	sdelay $0x3  }
0x44: {  	v3 =	vperm.xlane v3, v2  }
0x45: {  	[hbm4b:s2+s3] =	stream.indirect_vreg.scatter [tilespmem:s13], [sflag:$0x3], $0x80, v4, vm0, $0xb8;
	[tilespmem:$0xC100] =	vst v63  }
0x46: {  	v3 =	vadd.s32 v1, v3  }
0x47: {  	[hbm4b:s5+s3] =	stream.indirect_vreg.scatter [tilespmem:s14], [sflag:$0x3], $0x80, v4, vm0, $0xb8;
	[tilespmem:$0xC100] =	vst v63  }
0x48: {  	_ = 	snop  }
0x49: {  	[hbm4b:s6+s3] =	stream.indirect_vreg.scatter [tilespmem:s15], [sflag:$0x3], $0x80, v4, vm0, $0xb8;
	[tilespmem:$0xC100] =	vst v63  }
0x4a: {  	_ = 	snop  }
0x4b: {  	[hbm4b:s2+s3] =	stream.indirect_vreg.scatter [tilespmem:s16], [sflag:$0x3], $0x80, v3, vm0, $0xb8;
	[tilespmem:$0xC100] =	vst v63  }
0x4c: {  	_ = 	snop  }
0x4d: {  	[hbm4b:s5+s3] =	stream.indirect_vreg.scatter [tilespmem:s17], [sflag:$0x3], $0x80, v3, vm0, $0xb8;
	[tilespmem:$0xC100] =	vst v63  }
0x4e: {  	_ = 	snop  }
0x4f: {  	[hbm4b:s6+s3] =	stream.indirect_vreg.scatter [tilespmem:s18], [sflag:$0x3], $0x80, v3, vm0, $0xb8;
	[tilespmem:$0xC100] =	vst v63  }
0x50: {  	_ =	swait.ge [sflag:s19], $0x6000  }
0x51: {  	[sflag:s19] =	ssyncset.done $0x0  }
0x52: {  	[sflag:s19] =	ssyncadd.s32 $0xFFFFA000  }
0x53: {  	v3 =	vld [tilespmem:$0x80];
	_ =	sdelay $0x4  }
0x54: {  	v62 =	vshrl.u32 v3, $0x3  }
0x55: {  	v4 =	vmul.u32 $0x30, v62  }
0x56: {  	v3 =	vand.u32 $0x7, v3  }
0x57: {  	v3 =	vor.u32 v3, v4  }
0x58: {  	v4 =	vperm.xlane v3, v0;
	_ =	sdelay $0x1  }
0x59: {  	v4 =	vadd.s32 v1, v4;
	_ =	sdelay $0x3  }
0x5a: {  	v3 =	vperm.xlane v3, v2  }
0x5b: {  	[hbm4b:s2+s3] =	stream.indirect_vreg.scatter [tilespmem:s9], [sflag:$0x3], $0x80, v4, vm0, $0xb8;
	[tilespmem:$0xC100] =	vst v63  }
0x5c: {  	v3 =	vadd.s32 v1, v3  }
0x5d: {  	[hbm4b:s5+s3] =	stream.indirect_vreg.scatter [tilespmem:s20], [sflag:$0x3], $0x80, v4, vm0, $0xb8;
	[tilespmem:$0xC100] =	vst v63  }
0x5e: {  	_ = 	snop  }
0x5f: {  	[hbm4b:s6+s3] =	stream.indirect_vreg.scatter [tilespmem:s21], [sflag:$0x3], $0x80, v4, vm0, $0xb8;
	[tilespmem:$0xC100] =	vst v63  }
0x60: {  	_ = 	snop  }
0x61: {  	[hbm4b:s2+s3] =	stream.indirect_vreg.scatter [tilespmem:s22], [sflag:$0x3], $0x80, v3, vm0, $0xb8;
	[tilespmem:$0xC100] =	vst v63  }
0x62: {  	_ = 	snop  }
0x63: {  	[hbm4b:s5+s3] =	stream.indirect_vreg.scatter [tilespmem:s23], [sflag:$0x3], $0x80, v3, vm0, $0xb8;
	[tilespmem:$0xC100] =	vst v63  }
0x64: {  	_ = 	snop  }
0x65: {  	[hbm4b:s6+s3] =	stream.indirect_vreg.scatter [tilespmem:s24], [sflag:$0x3], $0x80, v3, vm0, $0xb8;
	[tilespmem:$0xC100] =	vst v63  }
0x66: {  	v3 =	vld [tilespmem:$0x90];
	_ =	sdelay $0x4  }
0x67: {  	v63 =	vshrl.u32 v3, $0x3  }
0x68: {  	v4 =	vmul.u32 $0x30, v63  }
0x69: {  	v3 =	vand.u32 $0x7, v3  }
0x6a: {  	v3 =	vor.u32 v3, v4  }
0x6b: {  	v4 =	vperm.xlane v3, v0;
	_ =	sdelay $0x1  }
0x6c: {  	v4 =	vadd.s32 v1, v4;
	_ =	sdelay $0x3  }
0x6d: {  	v3 =	vperm.xlane v3, v2  }
0x6e: {  	[hbm4b:s2+s3] =	stream.indirect_vreg.scatter [tilespmem:s25], [sflag:$0x3], $0x80, v4, vm0, $0xb8;
	[tilespmem:$0xC100] =	vst v63  }
0x6f: {  	v3 =	vadd.s32 v1, v3  }
0x70: {  	[hbm4b:s5+s3] =	stream.indirect_vreg.scatter [tilespmem:s26], [sflag:$0x3], $0x80, v4, vm0, $0xb8;
	[tilespmem:$0xC100] =	vst v63  }
0x71: {  	_ = 	snop  }
0x72: {  	[hbm4b:s6+s3] =	stream.indirect_vreg.scatter [tilespmem:s28], [sflag:$0x3], $0x80, v4, vm0, $0xb8;
	[tilespmem:$0xC100] =	vst v63  }
0x73: {  	_ = 	snop  }
0x74: {  	[hbm4b:s2+s3] =	stream.indirect_vreg.scatter [tilespmem:s29], [sflag:$0x3], $0x80, v3, vm0, $0xb8;
	[tilespmem:$0xC100] =	vst v63  }
0x75: {  	_ = 	snop  }
0x76: {  	[hbm4b:s5+s3] =	stream.indirect_vreg.scatter [tilespmem:s30], [sflag:$0x3], $0x80, v3, vm0, $0xb8;
	[tilespmem:$0xC100] =	vst v63  }
0x77: {  	_ = 	snop  }
0x78: {  	[hbm4b:s6+s3] =	stream.indirect_vreg.scatter [tilespmem:s31], [sflag:$0x3], $0x80, v3, vm0, $0xb8;
	[tilespmem:$0xC100] =	vst v63  }
0x79: {  	p0 =	sne.s32 s7, $0x1;
	_ =	swait.ge [sflag:s1], $0x6000  }
.Ltmp0:
0x7a: {  	[sflag:s1] =	ssyncset.done $0x0;
	(pc) =	sbr.rel @p0 .LBB2_1-.Ltmp0, $4  }
0x7b: {  	[sflag:s1] =	ssyncadd.s32 $0xFFFFA000  }
0x7c: {  	_ =	swait.ge [sflag:s1], $0x6000  }
0x7d: {  	[sflag:s1] =	ssyncset.done $0x0  }
0x7e: {  	s7 =	sadd.s32 $0xFFFFFFFF, s7;
	[sflag:s1] =	ssyncadd.s32 $0xFFFFA000  }
0x7f: {  	_ =	sfence.sel $0x180000  }
0x80: {  	[bflag:$0x0] =	sbarrier.arrive $0xFFFF  }
0x81: {  	_ =	strace $0x90000047  }
0x82: {  	s0 =	stileid.u32;
	[bflag:$0x2] =	sbarrier.arrive $0xFFFF  }
0x83: {  	p0 =	sne.s32 s0, $0x0;
	s0 =	rddreg [dreg:$0x3]  }
0x84: {  	s0 =	sadd.s32 @!p0 $0x100000, s0  }
0x85: {  	[sflag:s0] =	ssyncadd.tile.s32 @!p0 $0x1;
	_ =	shalt  }
.Lfunc_end2:
_tile_overlayer_lowered:
.L_overlay_start_2:
0x86: {  	(tag) =	ssettag $0x2  }
0x87: {  	s0 =	rddreg [dreg:$0x0];
	s2 =	stileid.u32  }
0x88: {  	s1 =	rddreg [dreg:$0x1];
	p0 =	sne.s32 s2, $0x0  }
0x89: {  	s3 =	rddreg [dreg:$0x2];
	[bflag:$0x3] =	sbarrier.arrive $0xFFFF;
	s2 =	simm.s32 @!p0 $0x1C04  }
0x8a: {  	[timem:s3], [sflag:s2] =	dma.local @!p0 [hbm:s0], s1  }
0x8b: {  	s0 =	simm.s32 @!p0 $0x4  }
0x8c: {  	_ =	swait.ge @!p0 [sflag:s0], s1  }
0x8d: {  	s1 =	ssub.s32 @!p0 $0x0, s1;
	[sflag:s0] =	ssyncset.done @!p0 $0x0  }
0x8e: {  	[sflag:s0] =	ssyncadd.s32 @!p0 s1  }
0x8f: {  	[bflag:$0x3] =	sbarrier.arrive $0xFFFF  }
0x90: {  	_ =	shalt  }

// kernel: kernel.9.cloned.1.call-start
scs
__scs_entry_jumppad:
0x0: {  	(pc) =	sbr.rel $0x88, $3  }
0x1: {  	(tag) =	ssettag $0x0;
	lr =	simm.s32 $0x1  }
0x2: {  	[smem:$0x3F9C] =	sst lr;
	_ =	strace $0xD0000000  }
0x3: {  	_ = 	snop  }
0x4: {  	_ = 	snop  }
0x5: {  	_ = 	snop  }
0x6: {  	_ = 	snop  }
0x7: {  	_ = 	snop  }
__scs_overlays_trampoline_lowered:
0x8: {  	[smem:$0x3FAB] =	sst s0  }
0x9: {  	[smem:$0x3FAC] =	sst s1  }
0xa: {  	[smem:$0x3FAD] =	sst s2  }
0xb: {  	[smem:$0x3FAE] =	sst s3  }
0xc: {  	[smem:$0x3FAF] =	sst s4  }
0xd: {  	[smem:$0x3FB0] =	sst s5  }
0xe: {  	[smem:$0x3FB1] =	sst s6  }
0xf: {  	[smem:$0x3FB2] =	sst s7  }
0x10: {  	[smem:$0x3FB3] =	sst s8  }
0x11: {  	[smem:$0x3FB4] =	sst s9;
	s0 =	simm.s32 @!p0 $0x0  }
0x12: {  	s1 =	sld [smem:$0x3F9A];
	s0 =	simm.s32 @p0 $0x1  }
0x13: {  	[smem:$0x3FB5] =	sst s0;
	s0 =	simm.s32 @!p1 $0x0  }
0x14: {  	s2 =	sld [smem:$0x3F99];
	s0 =	simm.s32 @p1 $0x1  }
0x15: {  	[smem:$0x3FB6] =	sst s0;
	s0 =	simm.s32 @!p2 $0x0  }
0x16: {  	s3 =	sld [smem:$0x3FDB];
	s0 =	simm.s32 @p2 $0x1  }
0x17: {  	s4 =	simm.s32 $0x1BF5;
	[smem:$0x3FB8] =	sst s0  }
0x18: {  	s0 =	sld [smem:$0x3F9B];
	_ =	swait.ge [sflag:s4], $0x0  }
0x19: {  	s7 =	sld [smem:$0x3F9C]  }
0x1a: {  	s8 =	sadd.s32 $0xFFFFE003, lr  }
0x1b: {  	s9 =	sadd.s32 $0xFFFFFEF7, lr;
	s5 =	simm.s32 $0xFFFFFFFF;
	p2 =	slt.u32 s8, $0xFFFFF086  }
0x1c: {  	p1 =	slt.u32 s9, $0xF7A;
	s5 =	simm.s32 @!p2 $0x0  }
0x1d: {  	s5 =	simm.s32 @p1 $0x1;
	p0 =	seq.s32 s7, s2  }
0x1e: {  	s7 =	smul.u32 @!p0 $0xF7A, s2;
	p2 =	seq.s32 @!p0 s5, $0x0  }
0x1f: {  	s9 =	smul.u32 $0xF7A, s1;
	s8 =	simm.s32 @!p0 $0x1BF5;
	p2 =	por !p2, p0  }
0x20: {  	[sflag:s8] =	ssyncset.s32 @!p0 $0xFFFFF086;
	s6 =	sadd.s32 @!p0 s3, s7;
	s7 =	simm.s32 @!p0 $0x108  }
0x21: {  	s3 =	sadd.s32 s3, s9;
	s6 =	sadd.s32 @!p0 $0x88, s6;
	s7 =	simm.s32 @p2 $0x1082  }
0x22: {  	[simem:s7], [sflag:s8] =	dma.local @!p0 [hbm:s6], $0xF7A  }
0x23: {  	s9 =	sor.u32 $0xD0000000, s2;
	s6 =	simm.s32 $0x108;
	_ =	swait.ge @!p0 [sflag:s8], $0x0  }
0x24: {  	s3 =	sadd.s32 $0x88, s3;
	s6 =	simm.s32 @!p1 $0x1082;
	[sflag:s4] =	ssyncset.s32 $0xFFFFF086  }
0x25: {  	[simem:s6], [sflag:s4] =	dma.local [hbm:s3], $0xF7A  }
0x26: {  	[smem:$0x3F9C] =	sst s1;
	(tag) =	ssettag s2;
	_ =	strace s9  }
0x27: {  	s1 =	sld [smem:$0x3FAC]  }
0x28: {  	s2 =	sld [smem:$0x3FAD]  }
0x29: {  	s4 =	sld [smem:$0x3FAF]  }
0x2a: {  	p0 =	seq.s32 s5, $0x0;
	s5 =	sld [smem:$0x3FB0]  }
0x2b: {  	s6 =	sld [smem:$0x3FB1]  }
0x2c: {  	s7 =	sld [smem:$0x3FB2]  }
0x2d: {  	s3 =	simm.s32 $0x108;
	s8 =	sld [smem:$0x3FB3]  }
0x2e: {  	s3 =	simm.s32 @!p0 $0x1082;
	s9 =	sld [smem:$0x3FB4]  }
0x2f: {  	lr =	sadd.s32 s0, s3;
	s0 =	sld [smem:$0x3FAB]  }
0x30: {  	s3 =	sld [smem:$0x3FAE]  }
0x31: {  	[smem:$0x3FB7] =	sst s10  }
0x32: {  	s10 =	sld [smem:$0x3FB5];
	_ =	sdelay $0x3  }
0x33: {  	p0 =	seq.s32 s10, $0x1;
	s10 =	sld [smem:$0x3FB7];
	_ =	sdelay $0x3  }
0x34: {  	[smem:$0x3FB7] =	sst s10  }
0x35: {  	s10 =	sld [smem:$0x3FB6];
	_ =	sdelay $0x3  }
0x36: {  	p1 =	seq.s32 s10, $0x1;
	s10 =	sld [smem:$0x3FB7];
	_ =	sdelay $0x3  }
0x37: {  	[smem:$0x3FB7] =	sst s10  }
0x38: {  	s10 =	sld [smem:$0x3FB8]  }
0x39: {  	_ = 	snop;
	(pc) =	sbr.ind lr, $3  }
0x3a: {  	_ = 	snop  }
0x3b: {  	_ = 	snop  }
0x3c: {  	p2 =	seq.s32 s10, $0x1;
	s10 =	sld [smem:$0x3FB7]  }
0x3d: {  	_ =	shalt  }
0x3e: {  	_ =	shalt  }
0x3f: {  	_ =	shalt  }
0x40: {  	_ =	shalt  }
0x41: {  	_ =	shalt  }
0x42: {  	_ =	shalt  }
0x43: {  	_ =	shalt  }
0x44: {  	_ =	shalt  }
0x45: {  	_ =	shalt  }
0x46: {  	_ =	shalt  }
0x47: {  	_ =	shalt  }
0x48: {  	_ =	shalt  }
0x49: {  	_ =	shalt  }
0x4a: {  	_ =	shalt  }
0x4b: {  	_ =	shalt  }
0x4c: {  	_ =	shalt  }
0x4d: {  	_ =	shalt  }
0x4e: {  	_ =	shalt  }
0x4f: {  	_ =	shalt  }
0x50: {  	_ =	shalt  }
0x51: {  	_ =	shalt  }
0x52: {  	_ =	shalt  }
0x53: {  	_ =	shalt  }
0x54: {  	_ =	shalt  }
0x55: {  	_ =	shalt  }
0x56: {  	_ =	shalt  }
0x57: {  	_ =	shalt  }
0x58: {  	_ =	shalt  }
0x59: {  	_ =	shalt  }
0x5a: {  	_ =	shalt  }
0x5b: {  	_ =	shalt  }
0x5c: {  	_ =	shalt  }
0x5d: {  	_ =	shalt  }
0x5e: {  	_ =	shalt  }
0x5f: {  	_ =	shalt  }
0x60: {  	_ =	shalt  }
0x61: {  	_ =	shalt  }
0x62: {  	_ =	shalt  }
0x63: {  	_ =	shalt  }
0x64: {  	_ =	shalt  }
0x65: {  	_ =	shalt  }
0x66: {  	_ =	shalt  }
0x67: {  	_ =	shalt  }
0x68: {  	_ =	shalt  }
0x69: {  	_ =	shalt  }
0x6a: {  	_ =	shalt  }
0x6b: {  	_ =	shalt  }
0x6c: {  	_ =	shalt  }
0x6d: {  	_ =	shalt  }
0x6e: {  	_ =	shalt  }
0x6f: {  	_ =	shalt  }
0x70: {  	_ =	shalt  }
0x71: {  	_ =	shalt  }
0x72: {  	_ =	shalt  }
0x73: {  	_ =	shalt  }
0x74: {  	_ =	shalt  }
0x75: {  	_ =	shalt  }
0x76: {  	_ =	shalt  }
0x77: {  	_ =	shalt  }
0x78: {  	_ =	shalt  }
0x79: {  	_ =	shalt  }
0x7a: {  	_ =	shalt  }
0x7b: {  	_ =	shalt  }
0x7c: {  	_ =	shalt  }
0x7d: {  	_ =	shalt  }
0x7e: {  	_ =	shalt  }
0x7f: {  	_ =	shalt  }
0x80: {  	_ =	shalt  }
0x81: {  	_ =	shalt  }
0x82: {  	_ =	shalt  }
0x83: {  	_ =	shalt  }
0x84: {  	_ =	shalt  }
0x85: {  	_ =	shalt  }
0x86: {  	_ =	shalt  }
0x87: {  	_ =	shalt  }
.Lfunc_end0:
.L_simem_size_0:
called_computation.1_lowered:
.L_overlay_start_0:
0x88: {  	s2 =	sld [smem:$0x3FD9]  }
0x89: {  	s3 =	sld [smem:$0x3FFE];
	_ =	sdelay $0x1  }
0x8a: {  	s1 =	srdreg.scid  }
0x8b: {  	s0 =	sand.u32 $0x1, s1  }
0x8c: {  	s17 =	sshll.u32 s0, $0xA;
	s2 =	sadd.s32 s3, s2  }
0x8d: {  	s2 =	sadd.s32 s2, s17  }
0x8e: {  	[smem:$0x3FC3] =	sst s2  }
0x8f: {  	_ = 	snop  }
0x90: {  	s2 =	sld [smem:$0x3FD0];
	(tm) =	ssettm $0x1  }
0x91: {  	s18 =	sld [smem:$0x3FFB];
	_ =	sdelay $0x3  }
0x92: {  	_ =	strace s18  }
0x93: {  	s3 =	sld [smem:$0x3FFC];
	_ =	sdelay $0x3  }
0x94: {  	_ =	strace s3  }
0x95: {  	s3 =	sld [smem:$0x3FFD];
	_ =	sdelay $0x3  }
0x96: {  	_ =	strace s3  }
0x97: {  	_ =	strace $0x8FFFFFFF  }
0x98: {  	s19 =	sld [smem:$0x3FDB];
	_ =	sdelay $0x1  }
0x99: {  	s4 =	simm.s32 $_scs_section_size  }
0x9a: {  	s5 =	simm.s32 $_size__tile_overlayer_lowered;
	s6 =	simm.s32 $_tile_overlayer_lowered  }
0x9b: {  	s22 =	simm.s32 $0x1BFF;
	s21 =	sshll.u32 s6, $0x1;
	s3 =	sadd.s32 s4, s19  }
0x9c: {  	s7 =	simm.s32 $0x0;
	s20 =	sshll.u32 s5, $0x1;
	s5 =	sadd.s32 s21, s3  }
0x9d: {  	[timem:s7], [sflag:s22] =	dma.local [hbm:s5], s20  }
0x9e: {  	_ =	swait.ge [sflag:s22], s20  }
0x9f: {  	s4 =	ssub.s32 $0x0, s20;
	[sflag:s22] =	ssyncset.done $0x0  }
0xa0: {  	[sflag:s22] =	ssyncadd.s32 s4;
	_ =	sdelay $0x1  }
0xa1: {  	s23 =	simm.s32 $0x1B8B  }
0xa2: {  	_ =	swait.ge [sflag:s23], $0x1  }
0xa3: {  	[sflag:s23] =	ssyncset.done $0x0  }
0xa4: {  	s25 =	simm.s32 $0x1B8E;
	s24 =	sld [smem:$0x3FFE];
	[sflag:s23] =	ssyncadd.s32 $0xFFFFFFFF  }
0xa5: {  	s26 =	simm.s32 $execute0_lowered;
	[smem:$0x3FD2] =	sst s25  }
0xa6: {  	s5 =	sshll.u32 s26, $0x1;
	_ =	strace $0x80000049;
	[dreg:$0x1] =	wrdreg $0xFFFFFFFF  }
0xa7: {  	s28 =	simm.s32 $_size_execute0_lowered;
	s3 =	sadd.s32 s3, s5;
	[dreg:$0x0] =	wrdreg $0x0  }
0xa8: {  	s5 =	sshll.u32 s28, $0x1;
	[dreg:$0x2] =	wrdreg s3  }
0xa9: {  	[dreg:$0x3] =	wrdreg s5  }
0xaa: {  	[dreg:$0x4] =	wrdreg $0xC0  }
0xab: {  	_ =	task [dreg:s7], $0x5FFFF  }
0xac: {  	[dreg:$0x1] =	wrdreg $0xFFFFFFFF  }
0xad: {  	[dreg:$0x0] =	wrdreg $0x60  }
0xae: {  	[dreg:$0x2] =	wrdreg s24  }
0xaf: {  	[dreg:$0x3] =	wrdreg s2  }
0xb0: {  	[dreg:$0x4] =	wrdreg $0x9  }
0xb1: {  	_ =	task.clear_ibuf [dreg:s7], $0x5FFFF;
	_ =	strace $0x90000049  }
0xb2: {  	s29 =	simm.s32 $0x9;
	_ =	strace $0x8000004B  }
0xb3: {  	_ =	swait.ge [sflag:s29], $0x1  }
0xb4: {  	[sflag:s29] =	ssyncadd.s32 $0xFFFFFFFF  }
0xb5: {  	_ =	strace $0x9000004B  }
0xb6: {  	_ =	sfence  }
0xb7: {  	s30 =	sld [smem:$0x0];
	_ =	sdelay $0x2  }
0xb8: {  	s31 =	sshll.u32 s1, $0xD;
	s1 =	sshrl.u32 s1, $0x2  }
0xb9: {  	s3 =	sand.u32 $0x4000, s31;
	s1 =	sadd.s32 s1, s30  }
0xba: {  	s0 =	sor.u32 s3, s0;
	s1 =	sshll.u32 s1, $0x11  }
0xbb: {  	s0 =	sor.u32 s1, s0  }
0xbc: {  	s0 =	sadd.s32 $0x8F2B, s0  }
0xbd: {  	[sflag:s0] =	ssyncadd.remote.s32 $0x1  }
0xbe: {  	_ =	sfence.sel $0xFFFF  }
0xbf: {  	[dreg:$0x0] =	wrdreg $0xFFFFFFFF;
	(pc) =	sbr.abs _section_cstart, $3  }
0xc0: {  	[dreg:$0x1] =	wrdreg $0xFFFFFFFF  }
0xc1: {  	_ =	task.clear_ibuf [dreg:s7], $0x2FFFF;
	_ =	strace $0x9FFFFFFF  }
0xc2: {  	(tm) =	ssettm $0x7FFFFFFF  }
0xc3: {  	_ =	shalt  }
tec
execute0_lowered:
.L_overlay_start_1:
0x0: {  	(tag) =	ssettag $0x1  }
0x1: {  	s1 =	srdreg.scid  }
0x2: {  	s0 =	stileid.u32;
	s6 =	rddreg [dreg:$0x0];
	s3 =	simm.s32 $0x1  }
0x3: {  	s7 =	rddreg [dreg:$0x1];
	s23 =	simm.s32 $0x80;
	s24 =	simm.s32 $0x900  }
0x4: {  	s25 =	simm.s32 $0x1100;
	s26 =	simm.s32 $0x1900;
	s12 =	simm.s32 $0x3100  }
0x5: {  	s13 =	simm.s32 $0x3900;
	s14 =	simm.s32 $0x4100;
	s15 =	simm.s32 $0x4900  }
0x6: {  	s16 =	simm.s32 $0x5100;
	s17 =	simm.s32 $0x5900;
	s18 =	simm.s32 $0x6100  }
0x7: {  	s19 =	simm.s32 $0x6900;
	s20 =	simm.s32 $0x7100;
	s21 =	simm.s32 $0x7900  }
0x8: {  	s22 =	simm.s32 $0x8100;
	s28 =	simm.s32 $0xA900;
	s29 =	simm.s32 $0xB100  }
0x9: {  	s30 =	simm.s32 $0xB900;
	s1 =	sand.u32 $0x1, s1;
	s2 =	sshll.u32 s0, $0x1  }
0xa: {  	s31 =	simm.s32 $0x2;
	s5 =	sor.u32 s1, s2;
	s2 =	simm.s32 $0x0  }
0xb: {  	p1 =	seq.s32 s1, $0x1;
	s4 =	sshll.u32 s1, $0x6;
	[smem:$0x7FF] =	sst s2  }
0xc: {  	s1 =	ssub.s32 $0x2, s1;
	_ =	strace $0x8000004A;
	[dreg:$0x7] =	wrdreg s23  }
0xd: {  	p0 =	seq.s32 s5, $0x0;
	s9 =	smul.u32 $0xC000, s5;
	[dreg:$0x8] =	wrdreg s24  }
0xe: {  	s10 =	sshrl.u32 s1, $0x1;
	s5 =	smul.u32 $0x1800, s5;
	[dreg:$0x9] =	wrdreg s25  }
0xf: {  	p0 =	por !p0, !p1;
	s1 =	ssub.s32 s1, s10;
	[dreg:$0xa] =	wrdreg s26  }
0x10: {  	s23 =	simm.s32 $0x8900;
	s24 =	simm.s32 $0x9100;
	p0 =	por !p0, !p0  }
0x11: {  	s25 =	simm.s32 $0x9900;
	s26 =	simm.s32 $0xA100;
	s3 =	simm.s32 @!p0 $0x0  }
0x12: {  	s9 =	sshrl.u32 s9, $0x3;
	s5 =	sadd.s32 s7, s5;
	s3 =	ssub.s32 s0, s3  }
0x13: {  	s7 =	sadd.s32 s7, s9;
	[dreg:$0x5] =	wrdreg s5;
	s3 =	sshll.u32 s3, $0x7  }
0x14: {  	s5 =	sadd.s32 $0x1B00, s6;
	s7 =	sadd.s32 $0xC00, s7;
	s8 =	sor.u32 s4, s3  }
0x15: {  	s9 =	simm.s32 $0x100;
	[dreg:$0x6] =	wrdreg s7;
	s8 =	sshrl.u32 s8, $0x3  }
0x16: {  	s7 =	smax.u32 s1, $0x1;
	s1 =	simm.s32 $0x3;
	s8 =	sadd.s32 s8, s6  }
0x17: {  	v2 =	vlaneseq.u32;
	s3 =	sadd.s32 $0x1A00, s6;
	s4 =	simm.s32 $0x1;
	s11 =	sadd.s32 $0x1800, s8  }
0x18: {  	vm0 =	vmmov $0xffff;
	v1 =	vshrl.u32 v2, $0x3;
	s6 =	sadd.s32 $0x1C00, s6;
	s8 =	sadd.s32 $0x1804, s8;
	[dreg:$0x3] =	wrdreg s11  }
0x19: {  	v0 =	vand.u32 $0x7, v2;
	v2 =	vor.u32 $0x8, v2;
	v1 =	vmul.u32 $0x8, v1;
	[dreg:$0x4] =	wrdreg s8;
	s8 =	simm.s32 $0x4;
	s11 =	simm.s32 $0x2900  }
.LBB2_1:
0x1a: {  	s0 =	rddreg [dreg:$0x3]  }
0x1b: {  	[tilespmem:s2], [sflag:$0x4] =	stream.linear.gather [hbm4b:s0+s2], $0x20, $0x38;
	[tilespmem:$0xC100] =	vst v63  }
0x1c: {  	_ =	swait.ge [sflag:s8], $0x20  }
0x1d: {  	s0 =	rddreg [dreg:$0x4];
	[sflag:s8] =	ssyncset.done $0x0  }
0x1e: {  	s10 =	rddreg [dreg:$0x7];
	[sflag:s8] =	ssyncadd.s32 $0xFFFFFFE0  }
0x1f: {  	[tilespmem:s10], [sflag:$0x4] =	stream.linear.gather [hbm4b:s0+s2], $0x20, $0x38;
	[tilespmem:$0xC100] =	vst v63  }
0x20: {  	_ =	swait.ge [sflag:s8], $0x20  }
0x21: {  	[sflag:s8] =	ssyncset.done $0x0  }
0x22: {  	[sflag:s8] =	ssyncadd.s32 $0xFFFFFFE0  }
0x23: {  	v3 =	vld [tilespmem:$0x0];
	_ =	sdelay $0x4  }
0x24: {  	v4 =	vshrl.u32 v3, $0x3  }
0x25: {  	v4 =	vmul.u32 $0x30, v4  }
0x26: {  	v3 =	vand.u32 $0x7, v3  }
0x27: {  	v3 =	vor.u32 v3, v4  }
0x28: {  	v4 =	vperm.xlane v3, v0;
	_ =	sdelay $0x1  }
0x29: {  	v4 =	vadd.s32 v1, v4;
	_ =	sdelay $0x3  }
0x2a: {  	v3 =	vperm.xlane v3, v2  }
0x2b: {  	[tilespmem:s9], [sflag:$0x1] =	stream.indirect_vreg.gather [hbm4b:s3+s2], $0x80, v4, vm0, $0xb8;
	[tilespmem:$0xC100] =	vst v63  }
0x2c: {  	s0 =	rddreg [dreg:$0x8];
	v3 =	vadd.s32 v1, v3  }
0x2d: {  	[tilespmem:s0], [sflag:$0x1] =	stream.indirect_vreg.gather [hbm4b:s5+s2], $0x80, v4, vm0, $0xb8;
	[tilespmem:$0xC100] =	vst v63  }
0x2e: {  	s10 =	rddreg [dreg:$0x9]  }
0x2f: {  	[tilespmem:s10], [sflag:$0x1] =	stream.indirect_vreg.gather [hbm4b:s6+s2], $0x80, v4, vm0, $0xb8;
	[tilespmem:$0xC100] =	vst v63  }
0x30: {  	s0 =	rddreg [dreg:$0xa]  }
0x31: {  	[tilespmem:s0], [sflag:$0x1] =	stream.indirect_vreg.gather [hbm4b:s3+s2], $0x80, v3, vm0, $0xb8;
	[tilespmem:$0xC100] =	vst v63  }
0x32: {  	s10 =	simm.s32 $0x2100  }
0x33: {  	[tilespmem:s10], [sflag:$0x1] =	stream.indirect_vreg.gather [hbm4b:s5+s2], $0x80, v3, vm0, $0xb8;
	[tilespmem:$0xC100] =	vst v63  }
0x34: {  	_ = 	snop  }
0x35: {  	[tilespmem:s11], [sflag:$0x1] =	stream.indirect_vreg.gather [hbm4b:s6+s2], $0x80, v3, vm0, $0xb8;
	[tilespmem:$0xC100] =	vst v63  }
0x36: {  	v3 =	vld [tilespmem:$0x10];
	_ =	sdelay $0x4  }
0x37: {  	v61 =	vshrl.u32 v3, $0x3  }
0x38: {  	v4 =	vmul.u32 $0x30, v61  }
0x39: {  	v3 =	vand.u32 $0x7, v3  }
0x3a: {  	v3 =	vor.u32 v3, v4  }
0x3b: {  	v4 =	vperm.xlane v3, v0;
	_ =	sdelay $0x1  }
0x3c: {  	v4 =	vadd.s32 v1, v4;
	_ =	sdelay $0x3  }
0x3d: {  	v3 =	vperm.xlane v3, v2  }
0x3e: {  	[tilespmem:s12], [sflag:$0x1] =	stream.indirect_vreg.gather [hbm4b:s3+s2], $0x80, v4, vm0, $0xb8;
	[tilespmem:$0xC100] =	vst v63  }
0x3f: {  	v3 =	vadd.s32 v1, v3  }
0x40: {  	[tilespmem:s13], [sflag:$0x1] =	stream.indirect_vreg.gather [hbm4b:s5+s2], $0x80, v4, vm0, $0xb8;
	[tilespmem:$0xC100] =	vst v63  }
0x41: {  	_ = 	snop  }
0x42: {  	[tilespmem:s14], [sflag:$0x1] =	stream.indirect_vreg.gather [hbm4b:s6+s2], $0x80, v4, vm0, $0xb8;
	[tilespmem:$0xC100] =	vst v63  }
0x43: {  	_ = 	snop  }
0x44: {  	[tilespmem:s15], [sflag:$0x1] =	stream.indirect_vreg.gather [hbm4b:s3+s2], $0x80, v3, vm0, $0xb8;
	[tilespmem:$0xC100] =	vst v63  }
0x45: {  	_ = 	snop  }
0x46: {  	[tilespmem:s16], [sflag:$0x1] =	stream.indirect_vreg.gather [hbm4b:s5+s2], $0x80, v3, vm0, $0xb8;
	[tilespmem:$0xC100] =	vst v63  }
0x47: {  	_ = 	snop  }
0x48: {  	[tilespmem:s17], [sflag:$0x1] =	stream.indirect_vreg.gather [hbm4b:s6+s2], $0x80, v3, vm0, $0xb8;
	[tilespmem:$0xC100] =	vst v63  }
0x49: {  	v3 =	vld [tilespmem:$0x80];
	_ =	sdelay $0x4  }
0x4a: {  	v62 =	vshrl.u32 v3, $0x3  }
0x4b: {  	v4 =	vmul.u32 $0x30, v62  }
0x4c: {  	v3 =	vand.u32 $0x7, v3  }
0x4d: {  	v3 =	vor.u32 v3, v4  }
0x4e: {  	v4 =	vperm.xlane v3, v0;
	_ =	sdelay $0x1  }
0x4f: {  	v4 =	vadd.s32 v1, v4;
	_ =	sdelay $0x3  }
0x50: {  	v3 =	vperm.xlane v3, v2  }
0x51: {  	[tilespmem:s18], [sflag:$0x2] =	stream.indirect_vreg.gather [hbm4b:s3+s2], $0x80, v4, vm0, $0xb8;
	[tilespmem:$0xC100] =	vst v63  }
0x52: {  	v3 =	vadd.s32 v1, v3  }
0x53: {  	[tilespmem:s19], [sflag:$0x2] =	stream.indirect_vreg.gather [hbm4b:s5+s2], $0x80, v4, vm0, $0xb8;
	[tilespmem:$0xC100] =	vst v63  }
0x54: {  	_ = 	snop  }
0x55: {  	[tilespmem:s20], [sflag:$0x2] =	stream.indirect_vreg.gather [hbm4b:s6+s2], $0x80, v4, vm0, $0xb8;
	[tilespmem:$0xC100] =	vst v63  }
0x56: {  	_ = 	snop  }
0x57: {  	[tilespmem:s21], [sflag:$0x2] =	stream.indirect_vreg.gather [hbm4b:s3+s2], $0x80, v3, vm0, $0xb8;
	[tilespmem:$0xC100] =	vst v63  }
0x58: {  	_ = 	snop  }
0x59: {  	[tilespmem:s22], [sflag:$0x2] =	stream.indirect_vreg.gather [hbm4b:s5+s2], $0x80, v3, vm0, $0xb8;
	[tilespmem:$0xC100] =	vst v63  }
0x5a: {  	_ = 	snop  }
0x5b: {  	[tilespmem:s23], [sflag:$0x2] =	stream.indirect_vreg.gather [hbm4b:s6+s2], $0x80, v3, vm0, $0xb8;
	[tilespmem:$0xC100] =	vst v63  }
0x5c: {  	v3 =	vld [tilespmem:$0x90];
	_ =	sdelay $0x4  }
0x5d: {  	v63 =	vshrl.u32 v3, $0x3  }
0x5e: {  	v4 =	vmul.u32 $0x30, v63  }
0x5f: {  	v3 =	vand.u32 $0x7, v3  }
0x60: {  	v3 =	vor.u32 v3, v4  }
0x61: {  	v4 =	vperm.xlane v3, v0;
	_ =	sdelay $0x1  }
0x62: {  	v4 =	vadd.s32 v1, v4;
	_ =	sdelay $0x3  }
0x63: {  	v3 =	vperm.xlane v3, v2  }
0x64: {  	[tilespmem:s24], [sflag:$0x2] =	stream.indirect_vreg.gather [hbm4b:s3+s2], $0x80, v4, vm0, $0xb8;
	[tilespmem:$0xC100] =	vst v63  }
0x65: {  	v3 =	vadd.s32 v1, v3  }
0x66: {  	[tilespmem:s25], [sflag:$0x2] =	stream.indirect_vreg.gather [hbm4b:s5+s2], $0x80, v4, vm0, $0xb8;
	[tilespmem:$0xC100] =	vst v63  }
0x67: {  	_ = 	snop  }
0x68: {  	[tilespmem:s26], [sflag:$0x2] =	stream.indirect_vreg.gather [hbm4b:s6+s2], $0x80, v4, vm0, $0xb8;
	[tilespmem:$0xC100] =	vst v63  }
0x69: {  	_ = 	snop  }
0x6a: {  	[tilespmem:s28], [sflag:$0x2] =	stream.indirect_vreg.gather [hbm4b:s3+s2], $0x80, v3, vm0, $0xb8;
	[tilespmem:$0xC100] =	vst v63  }
0x6b: {  	_ = 	snop  }
0x6c: {  	[tilespmem:s29], [sflag:$0x2] =	stream.indirect_vreg.gather [hbm4b:s5+s2], $0x80, v3, vm0, $0xb8;
	[tilespmem:$0xC100] =	vst v63  }
0x6d: {  	_ = 	snop  }
0x6e: {  	[tilespmem:s30], [sflag:$0x2] =	stream.indirect_vreg.gather [hbm4b:s6+s2], $0x80, v3, vm0, $0xb8;
	[tilespmem:$0xC100] =	vst v63  }
0x6f: {  	_ =	swait.ge [sflag:s4], $0x6000  }
0x70: {  	[sflag:s4] =	ssyncset.done $0x0  }
0x71: {  	s10 =	rddreg [dreg:$0x5];
	[sflag:s4] =	ssyncadd.s32 $0xFFFFA000  }
0x72: {  	[hbm4b:s10+s2] =	stream.linear.scatter [tilespmem:s9], [sflag:$0x3], $0x6000, $0x38;
	[tilespmem:$0xC100] =	vst v63  }
0x73: {  	_ =	swait.ge [sflag:s31], $0x6000  }
0x74: {  	[sflag:s31] =	ssyncset.done $0x0  }
0x75: {  	s10 =	rddreg [dreg:$0x6];
	[sflag:s31] =	ssyncadd.s32 $0xFFFFA000  }
0x76: {  	[hbm4b:s10+s2] =	stream.linear.scatter [tilespmem:s18], [sflag:$0x3], $0x6000, $0x38;
	[tilespmem:$0xC100] =	vst v63  }
0x77: {  	p0 =	sne.s32 s7, $0x1;
	_ =	swait.ge [sflag:s1], $0x6000  }
.Ltmp0:
0x78: {  	[sflag:s1] =	ssyncset.done $0x0;
	(pc) =	sbr.rel @p0 .LBB2_1-.Ltmp0, $4  }
0x79: {  	[sflag:s1] =	ssyncadd.s32 $0xFFFFA000  }
0x7a: {  	_ =	swait.ge [sflag:s1], $0x6000  }
0x7b: {  	[sflag:s1] =	ssyncset.done $0x0  }
0x7c: {  	s7 =	sadd.s32 $0xFFFFFFFF, s7;
	[sflag:s1] =	ssyncadd.s32 $0xFFFFA000  }
0x7d: {  	_ =	sfence.sel $0x180000  }
0x7e: {  	[bflag:$0x0] =	sbarrier.arrive $0xFFFF  }
0x7f: {  	_ =	strace $0x9000004A  }
0x80: {  	s0 =	stileid.u32;
	[bflag:$0x2] =	sbarrier.arrive $0xFFFF  }
0x81: {  	p0 =	sne.s32 s0, $0x0;
	s0 =	rddreg [dreg:$0x2]  }
0x82: {  	s0 =	sadd.s32 @!p0 $0x100000, s0  }
0x83: {  	[sflag:s0] =	ssyncadd.tile.s32 @!p0 $0x1;
	_ =	shalt  }
.Lfunc_end2:
_tile_overlayer_lowered:
.L_overlay_start_2:
0x84: {  	(tag) =	ssettag $0x2  }
0x85: {  	s0 =	rddreg [dreg:$0x0];
	s2 =	stileid.u32  }
0x86: {  	s1 =	rddreg [dreg:$0x1];
	p0 =	sne.s32 s2, $0x0  }
0x87: {  	s3 =	rddreg [dreg:$0x2];
	[bflag:$0x3] =	sbarrier.arrive $0xFFFF;
	s2 =	simm.s32 @!p0 $0x1C04  }
0x88: {  	[timem:s3], [sflag:s2] =	dma.local @!p0 [hbm:s0], s1  }
0x89: {  	s0 =	simm.s32 @!p0 $0x4  }
0x8a: {  	_ =	swait.ge @!p0 [sflag:s0], s1  }
0x8b: {  	s1 =	ssub.s32 @!p0 $0x0, s1;
	[sflag:s0] =	ssyncset.done @!p0 $0x0  }
0x8c: {  	[sflag:s0] =	ssyncadd.s32 @!p0 s1  }
0x8d: {  	[bflag:$0x3] =	sbarrier.arrive $0xFFFF  }
0x8e: {  	_ =	shalt  }

</sc_bundles>
